<compile_context>
chip_gen: v7x
topology: tpu7x:2x2x1
jax: 0.10.2.dev20260603
libtpu: 0.0.44.dev20260713+nightly
codegen_flags: <defaults>
</compile_context>

<pallas_src>
import functools

import jax
import jax.numpy as jnp
from jax import lax
from jax.experimental import pallas as pl
from jax.experimental.pallas import tpu as pltpu
from jax.experimental.pallas import tpu_sc as plsc

_N = 10000
_D = 128
_B = 64
_EPS = 1e-5
_LEAK = 0.0

_NC = 2
_NS = 16
_NW = _NC * _NS
_SUB = 40
_NSUB = 8
_CHUNK = _SUB * _NSUB
_LAST_SUBS = (_N - (_NW - 1) * _CHUNK) // _SUB


def _sc_segment_sums(x, batch):
    mesh = plsc.VectorSubcoreMesh(core_axis_name="c", subcore_axis_name="s")

    @functools.partial(
        pl.kernel,
        mesh=mesh,
        compiler_params=pltpu.CompilerParams(needs_layout_passes=False),
        out_type=jax.ShapeDtypeStruct((_NC, _B, _D), jnp.float32),
        scratch_types=[
            pltpu.VMEM((_NSUB, _SUB, _D), jnp.float32),
            pltpu.VMEM((_NSUB, _SUB), jnp.int32),
            pltpu.VMEM((8, _D), jnp.float32),
            pltpu.VMEM_SHARED((_B, _D), jnp.float32),
            pltpu.SemaphoreType.DMA,
            pltpu.SemaphoreType.DMA,
            pltpu.SemaphoreType.DMA,
        ],
    )
    def seg_kernel(x_hbm, b_hbm, out_sum, xb, b_v, zv, sh_sum,
                   sem_st, sem_sc, sem_b):
        cid = lax.axis_index("c")
        sid = lax.axis_index("s")
        wid = cid * _NS + sid
        xbase = wid * _CHUNK
        last = wid == _NW - 1
        zeros16 = jnp.zeros((16,), jnp.float32)

        pltpu.async_copy(b_hbm.at[pl.ds(xbase, _SUB)], b_v.at[0], sem_b)
        pltpu.async_copy(x_hbm.at[pl.ds(xbase, _SUB)], xb.at[0], sem_st)

        @pl.when(jnp.logical_not(last))
        def _():
            for g in range(1, _NSUB):
                pltpu.async_copy(b_hbm.at[pl.ds(xbase + g * _SUB, _SUB)],
                                 b_v.at[g], sem_b)
                pltpu.async_copy(x_hbm.at[pl.ds(xbase + g * _SUB, _SUB)],
                                 xb.at[g], sem_st)

        @pl.when(last)
        def _():
            for g in range(1, _LAST_SUBS):
                pltpu.async_copy(b_hbm.at[pl.ds(xbase + g * _SUB, _SUB)],
                                 b_v.at[g], sem_b)
                pltpu.async_copy(x_hbm.at[pl.ds(xbase + g * _SUB, _SUB)],
                                 xb.at[g], sem_st)

        @pl.when(sid < _B // 8)
        def _():
            for r in range(8):
                for j in range(_D // 16):
                    zv[r, pl.ds(j * 16, 16)] = zeros16
            pltpu.sync_copy(zv, sh_sum.at[pl.ds(sid * 8, 8)])

        plsc.subcore_barrier()

        def _run(g):
            pltpu.make_async_copy(
                x_hbm.at[pl.ds(xbase + g * _SUB, _SUB)], xb.at[g],
                sem_st).wait()
            pltpu.make_async_copy(
                b_hbm.at[pl.ds(xbase + g * _SUB, _SUB)], b_v.at[g],
                sem_b).wait()
            pltpu.async_copy(xb.at[g], sh_sum.at[b_v.at[g]], sem_sc,
                             add=True)

        _run(0)

        @pl.when(jnp.logical_not(last))
        def _():
            for g in range(1, _NSUB):
                _run(g)

        @pl.when(last)
        def _():
            for g in range(1, _LAST_SUBS):
                _run(g)

        def _drain(g):
            pltpu.make_async_copy(xb.at[g], sh_sum.at[b_v.at[g]],
                                  sem_sc).wait()

        _drain(0)

        @pl.when(jnp.logical_not(last))
        def _():
            for g in range(1, _NSUB):
                _drain(g)

        @pl.when(last)
        def _():
            for g in range(1, _LAST_SUBS):
                _drain(g)

        plsc.subcore_barrier()

        @pl.when(sid == 0)
        def _():
            pltpu.sync_copy(sh_sum, out_sum.at[cid])

    return seg_kernel(x, batch)


def _tc_mlp(psum, batch, u, g1, be1, W1, c1, g2, be2, W2, c2,
            g3, be3, W3, c3):
    def body(ps, b_r, u_r, g1_r, be1_r, W1_r, c1_r, g2_r, be2_r, W2_r, c2_r,
             g3_r, be3_r, W3_r, c3_r, out):
        s = ps[0] + ps[1]
        seg_ids = lax.broadcasted_iota(jnp.int32, (_B, 1), 0)
        b_row = b_r[...][None, :]
        onehot = (b_row == seg_ids).astype(jnp.float32)
        ones_col = jnp.ones((_N, 1), jnp.float32)
        cnt = jnp.dot(onehot, ones_col,
                      preferred_element_type=jnp.float32)
        pooled = s / jnp.clip(cnt, 1.0)
        h = jnp.concatenate([u_r[...], pooled], axis=1)

        def bn(h, g_v, b_v):
            mu = jnp.mean(h, axis=0, keepdims=True)
            var = jnp.mean((h - mu) * (h - mu), axis=0, keepdims=True)
            return (g_v[...][None, :] * (h - mu) * lax.rsqrt(var + _EPS)
                    + b_v[...][None, :])

        def lrelu(h):
            return jnp.where(h >= 0, h, _LEAK * h)

        h = bn(h, g1_r, be1_r)
        h = lrelu(jnp.dot(h, W1_r[...], preferred_element_type=jnp.float32)
                  + c1_r[...][None, :])
        h = bn(h, g2_r, be2_r)
        h = lrelu(jnp.dot(h, W2_r[...], preferred_element_type=jnp.float32)
                  + c2_r[...][None, :])
        h = bn(h, g3_r, be3_r)
        out[...] = (jnp.dot(h, W3_r[...], preferred_element_type=jnp.float32)
                    + c3_r[...][None, :])

    return pl.pallas_call(
        body,
        out_shape=jax.ShapeDtypeStruct((_B, W3.shape[1]), jnp.float32),
    )(psum, batch, u, g1, be1, W1, c1, g2, be2, W2, c2, g3, be3, W3, c3)


def kernel(x, edge_index, edge_attr, u, batch,
           g1, be1, W1, c1, g2, be2, W2, c2, g3, be3, W3, c3):
    del edge_index, edge_attr
    psum = _sc_segment_sums(x, batch)
    return _tc_mlp(psum, batch, u, g1, be1, W1, c1,
                   g2, be2, W2, c2, g3, be3, W3, c3)

# --- scband reference (transcript-rebuilt; emitter-appended) ---
"""Pipeline reference for scband-global-model-70884140253683 (READ-ONLY COPY).

The authoritative reference and input builder live on the scoring server;
editing this copy changes nothing except your own understanding.
"""

import jax, jax.numpy as jnp
import numpy as np

N = 10000
E = 320000
D = 128
DE = 16
B = 64
FU = 64
GO = 128
EPS = 1e-5
LEAK = 0.0


def setup_inputs(seed: int = 0) -> dict:
    key = jax.random.key(seed)
    ks = jax.random.split(key, 8)
    x = jax.random.normal(ks[0], (N, D), dtype=jnp.float32)
    edge_index = jax.random.randint(ks[1], (2, E), 0, N, dtype=jnp.int32)
    edge_attr = jax.random.normal(ks[2], (E, DE), dtype=jnp.float32)
    u = jax.random.normal(ks[3], (B, FU), dtype=jnp.float32)
    batch = jnp.sort(jax.random.randint(ks[4], (N,), 0, B, dtype=jnp.int32))
    g1 = jnp.ones((D + FU,), jnp.float32)
    be1 = jnp.zeros((D + FU,), jnp.float32)
    W1 = 0.05 * jax.random.normal(ks[5], (D + FU, GO), dtype=jnp.float32)
    c1 = jnp.zeros((GO,), jnp.float32)
    g2 = jnp.ones((GO,), jnp.float32)
    be2 = jnp.zeros((GO,), jnp.float32)
    W2 = 0.05 * jax.random.normal(ks[6], (GO, GO), dtype=jnp.float32)
    c2 = jnp.zeros((GO,), jnp.float32)
    g3 = jnp.ones((GO,), jnp.float32)
    be3 = jnp.zeros((GO,), jnp.float32)
    W3 = 0.05 * jax.random.normal(ks[7], (GO, GO), dtype=jnp.float32)
    c3 = jnp.zeros((GO,), jnp.float32)
    return {"x": x, "edge_index": edge_index, "edge_attr": edge_attr, "u": u, "batch": batch,
            "g1": g1, "be1": be1, "W1": W1, "c1": c1,
            "g2": g2, "be2": be2, "W2": W2, "c2": c2,
            "g3": g3, "be3": be3, "W3": W3, "c3": c3}


def _bn(h, g, b):
    mu = jnp.mean(h, axis=0)
    var = jnp.var(h, axis=0)
    return g * (h - mu) / jnp.sqrt(var + EPS) + b


def _lrelu(h):
    return jnp.where(h >= 0, h, LEAK * h)


def reference(x, edge_index, edge_attr, u, batch, g1, be1, W1, c1, g2, be2, W2, c2, g3, be3, W3, c3):
    # scatter(x, batch, dim=0, reduce='mean') with count clamped to >=1 (torch_scatter semantics)
    s = jax.ops.segment_sum(x, batch, num_segments=B)
    cnt = jax.ops.segment_sum(jnp.ones((x.shape[0],), x.dtype), batch, num_segments=B)
    pooled = s / jnp.clip(cnt, 1.0)[:, None]
    h = jnp.concatenate([u, pooled], axis=1)
    h = _bn(h, g1, be1)
    h = _lrelu(h @ W1 + c1)
    h = _bn(h, g2, be2)
    h = _lrelu(h @ W2 + c2)
    h = _bn(h, g3, be3)
    h = h @ W3 + c3
    return h

if __name__ == "__main__":
    import jax
    _d = setup_inputs()
    print(jax.jit(kernel)(*tuple(_d.values())))

</pallas_src>

<mosaic_0001>
#map = affine_map<(d0, d1) -> (0, 0)>
#map1 = affine_map<(d0, d1) -> (0)>
#map2 = affine_map<(d0, d1) -> (0, 0, 0)>
module attributes {stable_mosaic.version = 14 : i64} {
  func.func @seg_kernel(%arg0: i32, %arg1: i32, %arg2: memref<10000x128xf32, #tpu.memory_space<hbm>>, %arg3: memref<10000xi32, #tpu.memory_space<hbm>>, %arg4: memref<2x64x128xf32, #tpu.memory_space<hbm>>, %arg5: memref<8x40x128xf32, #tpu.memory_space<vmem>>, %arg6: memref<8x40xi32, #tpu.memory_space<vmem>>, %arg7: memref<8x128xf32, #tpu.memory_space<vmem>>, %arg8: memref<64x128xf32, #tpu.memory_space<vmem_shared>>, %arg9: memref<!tpu.dma_semaphore, #tpu.memory_space<semaphore_mem>>, %arg10: memref<!tpu.dma_semaphore, #tpu.memory_space<semaphore_mem>>, %arg11: memref<!tpu.dma_semaphore, #tpu.memory_space<semaphore_mem>>) attributes {dimension_semantics = [#tpu.dimension_semantics<core_parallel>, #tpu.dimension_semantics<subcore_parallel>], iteration_bounds = array<i64: 2, 16>, scalar_prefetch = 0 : i64, scratch_operands = 7 : i64, tpu.core_type = #tpu.core_type<sc_vector_subcore>, window_params = [{transform_indices = #map}, {transform_indices = #map1}, {transform_indices = #map2}]} {
    %mul3A = arith.constant 16 : i32
    %mul3A_0 = arith.muli %arg0, %mul3A : i32
    %add3A = arith.addi %mul3A_0, %arg1 : i32
    %mul3A_1 = arith.constant 320 : i32
    %mul3A_2 = arith.muli %add3A, %mul3A_1 : i32
    %eq3A = arith.constant 31 : i32
    %eq3A_3 = arith.cmpi eq, %add3A, %eq3A : i32
    %broadcast_in_dim3A = arith.constant 0.000000e+00 : f32
    %broadcast_in_dim3A_4 = vector.broadcast %broadcast_in_dim3A : f32 to vector<16xf32>
    %dma_start3A = arith.constant 0 : i32
    %dma_start3A_5 = arith.constant 0 : i32
    %dma_start3A_6 = tpu.memref_slice %arg6[%dma_start3A, %dma_start3A_5] : memref<8x40xi32, #tpu.memory_space<vmem>> -> memref<1x40xi32, #tpu.memory_space<vmem>>
    %dma_start3A_7 = tpu.memref_squeeze %dma_start3A_6 : memref<1x40xi32, #tpu.memory_space<vmem>> -> memref<40xi32, #tpu.memory_space<vmem>>
    %dma_start3A_8 = tpu.memref_slice %arg3[%mul3A_2] : memref<10000xi32, #tpu.memory_space<hbm>> -> memref<40xi32, #tpu.memory_space<hbm>>
    %dma_start3A_9 = arith.constant 0 : i32
    %dma_start3A_10 = tpu.memref_slice %arg6[%dma_start3A, %dma_start3A_9] : memref<8x40xi32, #tpu.memory_space<vmem>> -> memref<1x40xi32, #tpu.memory_space<vmem>>
    %dma_start3A_11 = tpu.memref_squeeze %dma_start3A_10 : memref<1x40xi32, #tpu.memory_space<vmem>> -> memref<40xi32, #tpu.memory_space<vmem>>
    %dma_start3A_12 = tpu.memref_slice %arg3[%mul3A_2] : memref<10000xi32, #tpu.memory_space<hbm>> -> memref<40xi32, #tpu.memory_space<hbm>>
    tpu.enqueue_dma source(%dma_start3A_12 : memref<40xi32, #tpu.memory_space<hbm>>) target(%dma_start3A_11 : memref<40xi32, #tpu.memory_space<vmem>>) target_semaphore(%arg11 : memref<!tpu.dma_semaphore, #tpu.memory_space<semaphore_mem>>)
    %dma_start3A_13 = arith.constant 0 : i32
    %dma_start3A_14 = arith.constant 0 : i32
    %dma_start3A_15 = arith.constant 0 : i32
    %dma_start3A_16 = tpu.memref_slice %arg5[%dma_start3A_13, %dma_start3A_14, %dma_start3A_15] : memref<8x40x128xf32, #tpu.memory_space<vmem>> -> memref<1x40x128xf32, #tpu.memory_space<vmem>>
    %dma_start3A_17 = tpu.memref_squeeze %dma_start3A_16 : memref<1x40x128xf32, #tpu.memory_space<vmem>> -> memref<40x128xf32, #tpu.memory_space<vmem>>
    %dma_start3A_18 = arith.constant 0 : i32
    %dma_start3A_19 = tpu.memref_slice %arg2[%mul3A_2, %dma_start3A_18] : memref<10000x128xf32, #tpu.memory_space<hbm>> -> memref<40x128xf32, #tpu.memory_space<hbm>>
    %dma_start3A_20 = arith.constant 0 : i32
    %dma_start3A_21 = arith.constant 0 : i32
    %dma_start3A_22 = tpu.memref_slice %arg5[%dma_start3A_13, %dma_start3A_20, %dma_start3A_21] : memref<8x40x128xf32, #tpu.memory_space<vmem>> -> memref<1x40x128xf32, #tpu.memory_space<vmem>>
    %dma_start3A_23 = tpu.memref_squeeze %dma_start3A_22 : memref<1x40x128xf32, #tpu.memory_space<vmem>> -> memref<40x128xf32, #tpu.memory_space<vmem>>
    %dma_start3A_24 = arith.constant 0 : i32
    %dma_start3A_25 = tpu.memref_slice %arg2[%mul3A_2, %dma_start3A_24] : memref<10000x128xf32, #tpu.memory_space<hbm>> -> memref<40x128xf32, #tpu.memory_space<hbm>>
    tpu.enqueue_dma source(%dma_start3A_25 : memref<40x128xf32, #tpu.memory_space<hbm>>) target(%dma_start3A_23 : memref<40x128xf32, #tpu.memory_space<vmem>>) target_semaphore(%arg9 : memref<!tpu.dma_semaphore, #tpu.memory_space<semaphore_mem>>)
    %not3A = arith.constant true
    %not3A_26 = arith.xori %eq3A_3, %not3A : i1
    %convert_element_type3A = arith.extui %not3A_26 : i1 to i32
    %cond3A = arith.constant 0 : i32
    %cond3A_27 = arith.cmpi ne, %convert_element_type3A, %cond3A : i32
    scf.if %cond3A_27 {
      %add3A_106 = arith.constant 40 : i32
      %add3A_107 = arith.addi %mul3A_2, %add3A_106 : i32
      %dma_start3A_108 = arith.constant 1 : i32
      %dma_start3A_109 = arith.constant 0 : i32
      %dma_start3A_110 = tpu.memref_slice %arg6[%dma_start3A_108, %dma_start3A_109] : memref<8x40xi32, #tpu.memory_space<vmem>> -> memref<1x40xi32, #tpu.memory_space<vmem>>
      %dma_start3A_111 = tpu.memref_squeeze %dma_start3A_110 : memref<1x40xi32, #tpu.memory_space<vmem>> -> memref<40xi32, #tpu.memory_space<vmem>>
      %dma_start3A_112 = tpu.memref_slice %arg3[%add3A_107] : memref<10000xi32, #tpu.memory_space<hbm>> -> memref<40xi32, #tpu.memory_space<hbm>>
      %dma_start3A_113 = arith.constant 0 : i32
      %dma_start3A_114 = tpu.memref_slice %arg6[%dma_start3A_108, %dma_start3A_113] : memref<8x40xi32, #tpu.memory_space<vmem>> -> memref<1x40xi32, #tpu.memory_space<vmem>>
      %dma_start3A_115 = tpu.memref_squeeze %dma_start3A_114 : memref<1x40xi32, #tpu.memory_space<vmem>> -> memref<40xi32, #tpu.memory_space<vmem>>
      %dma_start3A_116 = tpu.memref_slice %arg3[%add3A_107] : memref<10000xi32, #tpu.memory_space<hbm>> -> memref<40xi32, #tpu.memory_space<hbm>>
      tpu.enqueue_dma source(%dma_start3A_116 : memref<40xi32, #tpu.memory_space<hbm>>) target(%dma_start3A_115 : memref<40xi32, #tpu.memory_space<vmem>>) target_semaphore(%arg11 : memref<!tpu.dma_semaphore, #tpu.memory_space<semaphore_mem>>)
      %add3A_117 = arith.constant 40 : i32
      %add3A_118 = arith.addi %mul3A_2, %add3A_117 : i32
      %dma_start3A_119 = arith.constant 1 : i32
      %dma_start3A_120 = arith.constant 0 : i32
      %dma_start3A_121 = arith.constant 0 : i32
      %dma_start3A_122 = tpu.memref_slice %arg5[%dma_start3A_119, %dma_start3A_120, %dma_start3A_121] : memref<8x40x128xf32, #tpu.memory_space<vmem>> -> memref<1x40x128xf32, #tpu.memory_space<vmem>>
      %dma_start3A_123 = tpu.memref_squeeze %dma_start3A_122 : memref<1x40x128xf32, #tpu.memory_space<vmem>> -> memref<40x128xf32, #tpu.memory_space<vmem>>
      %dma_start3A_124 = arith.constant 0 : i32
      %dma_start3A_125 = tpu.memref_slice %arg2[%add3A_118, %dma_start3A_124] : memref<10000x128xf32, #tpu.memory_space<hbm>> -> memref<40x128xf32, #tpu.memory_space<hbm>>
      %dma_start3A_126 = arith.constant 0 : i32
      %dma_start3A_127 = arith.constant 0 : i32
      %dma_start3A_128 = tpu.memref_slice %arg5[%dma_start3A_119, %dma_start3A_126, %dma_start3A_127] : memref<8x40x128xf32, #tpu.memory_space<vmem>> -> memref<1x40x128xf32, #tpu.memory_space<vmem>>
      %dma_start3A_129 = tpu.memref_squeeze %dma_start3A_128 : memref<1x40x128xf32, #tpu.memory_space<vmem>> -> memref<40x128xf32, #tpu.memory_space<vmem>>
      %dma_start3A_130 = arith.constant 0 : i32
      %dma_start3A_131 = tpu.memref_slice %arg2[%add3A_118, %dma_start3A_130] : memref<10000x128xf32, #tpu.memory_space<hbm>> -> memref<40x128xf32, #tpu.memory_space<hbm>>
      tpu.enqueue_dma source(%dma_start3A_131 : memref<40x128xf32, #tpu.memory_space<hbm>>) target(%dma_start3A_129 : memref<40x128xf32, #tpu.memory_space<vmem>>) target_semaphore(%arg9 : memref<!tpu.dma_semaphore, #tpu.memory_space<semaphore_mem>>)
      %add3A_132 = arith.constant 80 : i32
      %add3A_133 = arith.addi %mul3A_2, %add3A_132 : i32
      %dma_start3A_134 = arith.constant 2 : i32
      %dma_start3A_135 = arith.constant 0 : i32
      %dma_start3A_136 = tpu.memref_slice %arg6[%dma_start3A_134, %dma_start3A_135] : memref<8x40xi32, #tpu.memory_space<vmem>> -> memref<1x40xi32, #tpu.memory_space<vmem>>
      %dma_start3A_137 = tpu.memref_squeeze %dma_start3A_136 : memref<1x40xi32, #tpu.memory_space<vmem>> -> memref<40xi32, #tpu.memory_space<vmem>>
      %dma_start3A_138 = tpu.memref_slice %arg3[%add3A_133] : memref<10000xi32, #tpu.memory_space<hbm>> -> memref<40xi32, #tpu.memory_space<hbm>>
      %dma_start3A_139 = arith.constant 0 : i32
      %dma_start3A_140 = tpu.memref_slice %arg6[%dma_start3A_134, %dma_start3A_139] : memref<8x40xi32, #tpu.memory_space<vmem>> -> memref<1x40xi32, #tpu.memory_space<vmem>>
      %dma_start3A_141 = tpu.memref_squeeze %dma_start3A_140 : memref<1x40xi32, #tpu.memory_space<vmem>> -> memref<40xi32, #tpu.memory_space<vmem>>
      %dma_start3A_142 = tpu.memref_slice %arg3[%add3A_133] : memref<10000xi32, #tpu.memory_space<hbm>> -> memref<40xi32, #tpu.memory_space<hbm>>
      tpu.enqueue_dma source(%dma_start3A_142 : memref<40xi32, #tpu.memory_space<hbm>>) target(%dma_start3A_141 : memref<40xi32, #tpu.memory_space<vmem>>) target_semaphore(%arg11 : memref<!tpu.dma_semaphore, #tpu.memory_space<semaphore_mem>>)
      %add3A_143 = arith.constant 80 : i32
      %add3A_144 = arith.addi %mul3A_2, %add3A_143 : i32
      %dma_start3A_145 = arith.constant 2 : i32
      %dma_start3A_146 = arith.constant 0 : i32
      %dma_start3A_147 = arith.constant 0 : i32
      %dma_start3A_148 = tpu.memref_slice %arg5[%dma_start3A_145, %dma_start3A_146, %dma_start3A_147] : memref<8x40x128xf32, #tpu.memory_space<vmem>> -> memref<1x40x128xf32, #tpu.memory_space<vmem>>
      %dma_start3A_149 = tpu.memref_squeeze %dma_start3A_148 : memref<1x40x128xf32, #tpu.memory_space<vmem>> -> memref<40x128xf32, #tpu.memory_space<vmem>>
      %dma_start3A_150 = arith.constant 0 : i32
      %dma_start3A_151 = tpu.memref_slice %arg2[%add3A_144, %dma_start3A_150] : memref<10000x128xf32, #tpu.memory_space<hbm>> -> memref<40x128xf32, #tpu.memory_space<hbm>>
      %dma_start3A_152 = arith.constant 0 : i32
      %dma_start3A_153 = arith.constant 0 : i32
      %dma_start3A_154 = tpu.memref_slice %arg5[%dma_start3A_145, %dma_start3A_152, %dma_start3A_153] : memref<8x40x128xf32, #tpu.memory_space<vmem>> -> memref<1x40x128xf32, #tpu.memory_space<vmem>>
      %dma_start3A_155 = tpu.memref_squeeze %dma_start3A_154 : memref<1x40x128xf32, #tpu.memory_space<vmem>> -> memref<40x128xf32, #tpu.memory_space<vmem>>
      %dma_start3A_156 = arith.constant 0 : i32
      %dma_start3A_157 = tpu.memref_slice %arg2[%add3A_144, %dma_start3A_156] : memref<10000x128xf32, #tpu.memory_space<hbm>> -> memref<40x128xf32, #tpu.memory_space<hbm>>
      tpu.enqueue_dma source(%dma_start3A_157 : memref<40x128xf32, #tpu.memory_space<hbm>>) target(%dma_start3A_155 : memref<40x128xf32, #tpu.memory_space<vmem>>) target_semaphore(%arg9 : memref<!tpu.dma_semaphore, #tpu.memory_space<semaphore_mem>>)
      %add3A_158 = arith.constant 120 : i32
      %add3A_159 = arith.addi %mul3A_2, %add3A_158 : i32
      %dma_start3A_160 = arith.constant 3 : i32
      %dma_start3A_161 = arith.constant 0 : i32
      %dma_start3A_162 = tpu.memref_slice %arg6[%dma_start3A_160, %dma_start3A_161] : memref<8x40xi32, #tpu.memory_space<vmem>> -> memref<1x40xi32, #tpu.memory_space<vmem>>
      %dma_start3A_163 = tpu.memref_squeeze %dma_start3A_162 : memref<1x40xi32, #tpu.memory_space<vmem>> -> memref<40xi32, #tpu.memory_space<vmem>>
      %dma_start3A_164 = tpu.memref_slice %arg3[%add3A_159] : memref<10000xi32, #tpu.memory_space<hbm>> -> memref<40xi32, #tpu.memory_space<hbm>>
      %dma_start3A_165 = arith.constant 0 : i32
      %dma_start3A_166 = tpu.memref_slice %arg6[%dma_start3A_160, %dma_start3A_165] : memref<8x40xi32, #tpu.memory_space<vmem>> -> memref<1x40xi32, #tpu.memory_space<vmem>>
      %dma_start3A_167 = tpu.memref_squeeze %dma_start3A_166 : memref<1x40xi32, #tpu.memory_space<vmem>> -> memref<40xi32, #tpu.memory_space<vmem>>
      %dma_start3A_168 = tpu.memref_slice %arg3[%add3A_159] : memref<10000xi32, #tpu.memory_space<hbm>> -> memref<40xi32, #tpu.memory_space<hbm>>
      tpu.enqueue_dma source(%dma_start3A_168 : memref<40xi32, #tpu.memory_space<hbm>>) target(%dma_start3A_167 : memref<40xi32, #tpu.memory_space<vmem>>) target_semaphore(%arg11 : memref<!tpu.dma_semaphore, #tpu.memory_space<semaphore_mem>>)
      %add3A_169 = arith.constant 120 : i32
      %add3A_170 = arith.addi %mul3A_2, %add3A_169 : i32
      %dma_start3A_171 = arith.constant 3 : i32
      %dma_start3A_172 = arith.constant 0 : i32
      %dma_start3A_173 = arith.constant 0 : i32
      %dma_start3A_174 = tpu.memref_slice %arg5[%dma_start3A_171, %dma_start3A_172, %dma_start3A_173] : memref<8x40x128xf32, #tpu.memory_space<vmem>> -> memref<1x40x128xf32, #tpu.memory_space<vmem>>
      %dma_start3A_175 = tpu.memref_squeeze %dma_start3A_174 : memref<1x40x128xf32, #tpu.memory_space<vmem>> -> memref<40x128xf32, #tpu.memory_space<vmem>>
      %dma_start3A_176 = arith.constant 0 : i32
      %dma_start3A_177 = tpu.memref_slice %arg2[%add3A_170, %dma_start3A_176] : memref<10000x128xf32, #tpu.memory_space<hbm>> -> memref<40x128xf32, #tpu.memory_space<hbm>>
      %dma_start3A_178 = arith.constant 0 : i32
      %dma_start3A_179 = arith.constant 0 : i32
      %dma_start3A_180 = tpu.memref_slice %arg5[%dma_start3A_171, %dma_start3A_178, %dma_start3A_179] : memref<8x40x128xf32, #tpu.memory_space<vmem>> -> memref<1x40x128xf32, #tpu.memory_space<vmem>>
      %dma_start3A_181 = tpu.memref_squeeze %dma_start3A_180 : memref<1x40x128xf32, #tpu.memory_space<vmem>> -> memref<40x128xf32, #tpu.memory_space<vmem>>
      %dma_start3A_182 = arith.constant 0 : i32
      %dma_start3A_183 = tpu.memref_slice %arg2[%add3A_170, %dma_start3A_182] : memref<10000x128xf32, #tpu.memory_space<hbm>> -> memref<40x128xf32, #tpu.memory_space<hbm>>
      tpu.enqueue_dma source(%dma_start3A_183 : memref<40x128xf32, #tpu.memory_space<hbm>>) target(%dma_start3A_181 : memref<40x128xf32, #tpu.memory_space<vmem>>) target_semaphore(%arg9 : memref<!tpu.dma_semaphore, #tpu.memory_space<semaphore_mem>>)
      %add3A_184 = arith.constant 160 : i32
      %add3A_185 = arith.addi %mul3A_2, %add3A_184 : i32
      %dma_start3A_186 = arith.constant 4 : i32
      %dma_start3A_187 = arith.constant 0 : i32
      %dma_start3A_188 = tpu.memref_slice %arg6[%dma_start3A_186, %dma_start3A_187] : memref<8x40xi32, #tpu.memory_space<vmem>> -> memref<1x40xi32, #tpu.memory_space<vmem>>
      %dma_start3A_189 = tpu.memref_squeeze %dma_start3A_188 : memref<1x40xi32, #tpu.memory_space<vmem>> -> memref<40xi32, #tpu.memory_space<vmem>>
      %dma_start3A_190 = tpu.memref_slice %arg3[%add3A_185] : memref<10000xi32, #tpu.memory_space<hbm>> -> memref<40xi32, #tpu.memory_space<hbm>>
      %dma_start3A_191 = arith.constant 0 : i32
      %dma_start3A_192 = tpu.memref_slice %arg6[%dma_start3A_186, %dma_start3A_191] : memref<8x40xi32, #tpu.memory_space<vmem>> -> memref<1x40xi32, #tpu.memory_space<vmem>>
      %dma_start3A_193 = tpu.memref_squeeze %dma_start3A_192 : memref<1x40xi32, #tpu.memory_space<vmem>> -> memref<40xi32, #tpu.memory_space<vmem>>
      %dma_start3A_194 = tpu.memref_slice %arg3[%add3A_185] : memref<10000xi32, #tpu.memory_space<hbm>> -> memref<40xi32, #tpu.memory_space<hbm>>
      tpu.enqueue_dma source(%dma_start3A_194 : memref<40xi32, #tpu.memory_space<hbm>>) target(%dma_start3A_193 : memref<40xi32, #tpu.memory_space<vmem>>) target_semaphore(%arg11 : memref<!tpu.dma_semaphore, #tpu.memory_space<semaphore_mem>>)
      %add3A_195 = arith.constant 160 : i32
      %add3A_196 = arith.addi %mul3A_2, %add3A_195 : i32
      %dma_start3A_197 = arith.constant 4 : i32
      %dma_start3A_198 = arith.constant 0 : i32
      %dma_start3A_199 = arith.constant 0 : i32
      %dma_start3A_200 = tpu.memref_slice %arg5[%dma_start3A_197, %dma_start3A_198, %dma_start3A_199] : memref<8x40x128xf32, #tpu.memory_space<vmem>> -> memref<1x40x128xf32, #tpu.memory_space<vmem>>
      %dma_start3A_201 = tpu.memref_squeeze %dma_start3A_200 : memref<1x40x128xf32, #tpu.memory_space<vmem>> -> memref<40x128xf32, #tpu.memory_space<vmem>>
      %dma_start3A_202 = arith.constant 0 : i32
      %dma_start3A_203 = tpu.memref_slice %arg2[%add3A_196, %dma_start3A_202] : memref<10000x128xf32, #tpu.memory_space<hbm>> -> memref<40x128xf32, #tpu.memory_space<hbm>>
      %dma_start3A_204 = arith.constant 0 : i32
      %dma_start3A_205 = arith.constant 0 : i32
      %dma_start3A_206 = tpu.memref_slice %arg5[%dma_start3A_197, %dma_start3A_204, %dma_start3A_205] : memref<8x40x128xf32, #tpu.memory_space<vmem>> -> memref<1x40x128xf32, #tpu.memory_space<vmem>>
      %dma_start3A_207 = tpu.memref_squeeze %dma_start3A_206 : memref<1x40x128xf32, #tpu.memory_space<vmem>> -> memref<40x128xf32, #tpu.memory_space<vmem>>
      %dma_start3A_208 = arith.constant 0 : i32
      %dma_start3A_209 = tpu.memref_slice %arg2[%add3A_196, %dma_start3A_208] : memref<10000x128xf32, #tpu.memory_space<hbm>> -> memref<40x128xf32, #tpu.memory_space<hbm>>
      tpu.enqueue_dma source(%dma_start3A_209 : memref<40x128xf32, #tpu.memory_space<hbm>>) target(%dma_start3A_207 : memref<40x128xf32, #tpu.memory_space<vmem>>) target_semaphore(%arg9 : memref<!tpu.dma_semaphore, #tpu.memory_space<semaphore_mem>>)
      %add3A_210 = arith.constant 200 : i32
      %add3A_211 = arith.addi %mul3A_2, %add3A_210 : i32
      %dma_start3A_212 = arith.constant 5 : i32
      %dma_start3A_213 = arith.constant 0 : i32
      %dma_start3A_214 = tpu.memref_slice %arg6[%dma_start3A_212, %dma_start3A_213] : memref<8x40xi32, #tpu.memory_space<vmem>> -> memref<1x40xi32, #tpu.memory_space<vmem>>
      %dma_start3A_215 = tpu.memref_squeeze %dma_start3A_214 : memref<1x40xi32, #tpu.memory_space<vmem>> -> memref<40xi32, #tpu.memory_space<vmem>>
      %dma_start3A_216 = tpu.memref_slice %arg3[%add3A_211] : memref<10000xi32, #tpu.memory_space<hbm>> -> memref<40xi32, #tpu.memory_space<hbm>>
      %dma_start3A_217 = arith.constant 0 : i32
      %dma_start3A_218 = tpu.memref_slice %arg6[%dma_start3A_212, %dma_start3A_217] : memref<8x40xi32, #tpu.memory_space<vmem>> -> memref<1x40xi32, #tpu.memory_space<vmem>>
      %dma_start3A_219 = tpu.memref_squeeze %dma_start3A_218 : memref<1x40xi32, #tpu.memory_space<vmem>> -> memref<40xi32, #tpu.memory_space<vmem>>
      %dma_start3A_220 = tpu.memref_slice %arg3[%add3A_211] : memref<10000xi32, #tpu.memory_space<hbm>> -> memref<40xi32, #tpu.memory_space<hbm>>
      tpu.enqueue_dma source(%dma_start3A_220 : memref<40xi32, #tpu.memory_space<hbm>>) target(%dma_start3A_219 : memref<40xi32, #tpu.memory_space<vmem>>) target_semaphore(%arg11 : memref<!tpu.dma_semaphore, #tpu.memory_space<semaphore_mem>>)
      %add3A_221 = arith.constant 200 : i32
      %add3A_222 = arith.addi %mul3A_2, %add3A_221 : i32
      %dma_start3A_223 = arith.constant 5 : i32
      %dma_start3A_224 = arith.constant 0 : i32
      %dma_start3A_225 = arith.constant 0 : i32
      %dma_start3A_226 = tpu.memref_slice %arg5[%dma_start3A_223, %dma_start3A_224, %dma_start3A_225] : memref<8x40x128xf32, #tpu.memory_space<vmem>> -> memref<1x40x128xf32, #tpu.memory_space<vmem>>
      %dma_start3A_227 = tpu.memref_squeeze %dma_start3A_226 : memref<1x40x128xf32, #tpu.memory_space<vmem>> -> memref<40x128xf32, #tpu.memory_space<vmem>>
      %dma_start3A_228 = arith.constant 0 : i32
      %dma_start3A_229 = tpu.memref_slice %arg2[%add3A_222, %dma_start3A_228] : memref<10000x128xf32, #tpu.memory_space<hbm>> -> memref<40x128xf32, #tpu.memory_space<hbm>>
      %dma_start3A_230 = arith.constant 0 : i32
      %dma_start3A_231 = arith.constant 0 : i32
      %dma_start3A_232 = tpu.memref_slice %arg5[%dma_start3A_223, %dma_start3A_230, %dma_start3A_231] : memref<8x40x128xf32, #tpu.memory_space<vmem>> -> memref<1x40x128xf32, #tpu.memory_space<vmem>>
      %dma_start3A_233 = tpu.memref_squeeze %dma_start3A_232 : memref<1x40x128xf32, #tpu.memory_space<vmem>> -> memref<40x128xf32, #tpu.memory_space<vmem>>
      %dma_start3A_234 = arith.constant 0 : i32
      %dma_start3A_235 = tpu.memref_slice %arg2[%add3A_222, %dma_start3A_234] : memref<10000x128xf32, #tpu.memory_space<hbm>> -> memref<40x128xf32, #tpu.memory_space<hbm>>
      tpu.enqueue_dma source(%dma_start3A_235 : memref<40x128xf32, #tpu.memory_space<hbm>>) target(%dma_start3A_233 : memref<40x128xf32, #tpu.memory_space<vmem>>) target_semaphore(%arg9 : memref<!tpu.dma_semaphore, #tpu.memory_space<semaphore_mem>>)
      %add3A_236 = arith.constant 240 : i32
      %add3A_237 = arith.addi %mul3A_2, %add3A_236 : i32
      %dma_start3A_238 = arith.constant 6 : i32
      %dma_start3A_239 = arith.constant 0 : i32
      %dma_start3A_240 = tpu.memref_slice %arg6[%dma_start3A_238, %dma_start3A_239] : memref<8x40xi32, #tpu.memory_space<vmem>> -> memref<1x40xi32, #tpu.memory_space<vmem>>
      %dma_start3A_241 = tpu.memref_squeeze %dma_start3A_240 : memref<1x40xi32, #tpu.memory_space<vmem>> -> memref<40xi32, #tpu.memory_space<vmem>>
      %dma_start3A_242 = tpu.memref_slice %arg3[%add3A_237] : memref<10000xi32, #tpu.memory_space<hbm>> -> memref<40xi32, #tpu.memory_space<hbm>>
      %dma_start3A_243 = arith.constant 0 : i32
      %dma_start3A_244 = tpu.memref_slice %arg6[%dma_start3A_238, %dma_start3A_243] : memref<8x40xi32, #tpu.memory_space<vmem>> -> memref<1x40xi32, #tpu.memory_space<vmem>>
      %dma_start3A_245 = tpu.memref_squeeze %dma_start3A_244 : memref<1x40xi32, #tpu.memory_space<vmem>> -> memref<40xi32, #tpu.memory_space<vmem>>
      %dma_start3A_246 = tpu.memref_slice %arg3[%add3A_237] : memref<10000xi32, #tpu.memory_space<hbm>> -> memref<40xi32, #tpu.memory_space<hbm>>
      tpu.enqueue_dma source(%dma_start3A_246 : memref<40xi32, #tpu.memory_space<hbm>>) target(%dma_start3A_245 : memref<40xi32, #tpu.memory_space<vmem>>) target_semaphore(%arg11 : memref<!tpu.dma_semaphore, #tpu.memory_space<semaphore_mem>>)
      %add3A_247 = arith.constant 240 : i32
      %add3A_248 = arith.addi %mul3A_2, %add3A_247 : i32
      %dma_start3A_249 = arith.constant 6 : i32
      %dma_start3A_250 = arith.constant 0 : i32
      %dma_start3A_251 = arith.constant 0 : i32
      %dma_start3A_252 = tpu.memref_slice %arg5[%dma_start3A_249, %dma_start3A_250, %dma_start3A_251] : memref<8x40x128xf32, #tpu.memory_space<vmem>> -> memref<1x40x128xf32, #tpu.memory_space<vmem>>
      %dma_start3A_253 = tpu.memref_squeeze %dma_start3A_252 : memref<1x40x128xf32, #tpu.memory_space<vmem>> -> memref<40x128xf32, #tpu.memory_space<vmem>>
      %dma_start3A_254 = arith.constant 0 : i32
      %dma_start3A_255 = tpu.memref_slice %arg2[%add3A_248, %dma_start3A_254] : memref<10000x128xf32, #tpu.memory_space<hbm>> -> memref<40x128xf32, #tpu.memory_space<hbm>>
      %dma_start3A_256 = arith.constant 0 : i32
      %dma_start3A_257 = arith.constant 0 : i32
      %dma_start3A_258 = tpu.memref_slice %arg5[%dma_start3A_249, %dma_start3A_256, %dma_start3A_257] : memref<8x40x128xf32, #tpu.memory_space<vmem>> -> memref<1x40x128xf32, #tpu.memory_space<vmem>>
      %dma_start3A_259 = tpu.memref_squeeze %dma_start3A_258 : memref<1x40x128xf32, #tpu.memory_space<vmem>> -> memref<40x128xf32, #tpu.memory_space<vmem>>
      %dma_start3A_260 = arith.constant 0 : i32
      %dma_start3A_261 = tpu.memref_slice %arg2[%add3A_248, %dma_start3A_260] : memref<10000x128xf32, #tpu.memory_space<hbm>> -> memref<40x128xf32, #tpu.memory_space<hbm>>
      tpu.enqueue_dma source(%dma_start3A_261 : memref<40x128xf32, #tpu.memory_space<hbm>>) target(%dma_start3A_259 : memref<40x128xf32, #tpu.memory_space<vmem>>) target_semaphore(%arg9 : memref<!tpu.dma_semaphore, #tpu.memory_space<semaphore_mem>>)
      %add3A_262 = arith.constant 280 : i32
      %add3A_263 = arith.addi %mul3A_2, %add3A_262 : i32
      %dma_start3A_264 = arith.constant 7 : i32
      %dma_start3A_265 = arith.constant 0 : i32
      %dma_start3A_266 = tpu.memref_slice %arg6[%dma_start3A_264, %dma_start3A_265] : memref<8x40xi32, #tpu.memory_space<vmem>> -> memref<1x40xi32, #tpu.memory_space<vmem>>
      %dma_start3A_267 = tpu.memref_squeeze %dma_start3A_266 : memref<1x40xi32, #tpu.memory_space<vmem>> -> memref<40xi32, #tpu.memory_space<vmem>>
      %dma_start3A_268 = tpu.memref_slice %arg3[%add3A_263] : memref<10000xi32, #tpu.memory_space<hbm>> -> memref<40xi32, #tpu.memory_space<hbm>>
      %dma_start3A_269 = arith.constant 0 : i32
      %dma_start3A_270 = tpu.memref_slice %arg6[%dma_start3A_264, %dma_start3A_269] : memref<8x40xi32, #tpu.memory_space<vmem>> -> memref<1x40xi32, #tpu.memory_space<vmem>>
      %dma_start3A_271 = tpu.memref_squeeze %dma_start3A_270 : memref<1x40xi32, #tpu.memory_space<vmem>> -> memref<40xi32, #tpu.memory_space<vmem>>
      %dma_start3A_272 = tpu.memref_slice %arg3[%add3A_263] : memref<10000xi32, #tpu.memory_space<hbm>> -> memref<40xi32, #tpu.memory_space<hbm>>
      tpu.enqueue_dma source(%dma_start3A_272 : memref<40xi32, #tpu.memory_space<hbm>>) target(%dma_start3A_271 : memref<40xi32, #tpu.memory_space<vmem>>) target_semaphore(%arg11 : memref<!tpu.dma_semaphore, #tpu.memory_space<semaphore_mem>>)
      %add3A_273 = arith.constant 280 : i32
      %add3A_274 = arith.addi %mul3A_2, %add3A_273 : i32
      %dma_start3A_275 = arith.constant 7 : i32
      %dma_start3A_276 = arith.constant 0 : i32
      %dma_start3A_277 = arith.constant 0 : i32
      %dma_start3A_278 = tpu.memref_slice %arg5[%dma_start3A_275, %dma_start3A_276, %dma_start3A_277] : memref<8x40x128xf32, #tpu.memory_space<vmem>> -> memref<1x40x128xf32, #tpu.memory_space<vmem>>
      %dma_start3A_279 = tpu.memref_squeeze %dma_start3A_278 : memref<1x40x128xf32, #tpu.memory_space<vmem>> -> memref<40x128xf32, #tpu.memory_space<vmem>>
      %dma_start3A_280 = arith.constant 0 : i32
      %dma_start3A_281 = tpu.memref_slice %arg2[%add3A_274, %dma_start3A_280] : memref<10000x128xf32, #tpu.memory_space<hbm>> -> memref<40x128xf32, #tpu.memory_space<hbm>>
      %dma_start3A_282 = arith.constant 0 : i32
      %dma_start3A_283 = arith.constant 0 : i32
      %dma_start3A_284 = tpu.memref_slice %arg5[%dma_start3A_275, %dma_start3A_282, %dma_start3A_283] : memref<8x40x128xf32, #tpu.memory_space<vmem>> -> memref<1x40x128xf32, #tpu.memory_space<vmem>>
      %dma_start3A_285 = tpu.memref_squeeze %dma_start3A_284 : memref<1x40x128xf32, #tpu.memory_space<vmem>> -> memref<40x128xf32, #tpu.memory_space<vmem>>
      %dma_start3A_286 = arith.constant 0 : i32
      %dma_start3A_287 = tpu.memref_slice %arg2[%add3A_274, %dma_start3A_286] : memref<10000x128xf32, #tpu.memory_space<hbm>> -> memref<40x128xf32, #tpu.memory_space<hbm>>
      tpu.enqueue_dma source(%dma_start3A_287 : memref<40x128xf32, #tpu.memory_space<hbm>>) target(%dma_start3A_285 : memref<40x128xf32, #tpu.memory_space<vmem>>) target_semaphore(%arg9 : memref<!tpu.dma_semaphore, #tpu.memory_space<semaphore_mem>>)
    } else {
    }
    %convert_element_type3A_28 = arith.extui %eq3A_3 : i1 to i32
    %cond3A_29 = arith.constant 0 : i32
    %cond3A_30 = arith.cmpi ne, %convert_element_type3A_28, %cond3A_29 : i32
    scf.if %cond3A_30 {
      %add3A_106 = arith.constant 40 : i32
      %add3A_107 = arith.addi %mul3A_2, %add3A_106 : i32
      %dma_start3A_108 = arith.constant 1 : i32
      %dma_start3A_109 = arith.constant 0 : i32
      %dma_start3A_110 = tpu.memref_slice %arg6[%dma_start3A_108, %dma_start3A_109] : memref<8x40xi32, #tpu.memory_space<vmem>> -> memref<1x40xi32, #tpu.memory_space<vmem>>
      %dma_start3A_111 = tpu.memref_squeeze %dma_start3A_110 : memref<1x40xi32, #tpu.memory_space<vmem>> -> memref<40xi32, #tpu.memory_space<vmem>>
      %dma_start3A_112 = tpu.memref_slice %arg3[%add3A_107] : memref<10000xi32, #tpu.memory_space<hbm>> -> memref<40xi32, #tpu.memory_space<hbm>>
      %dma_start3A_113 = arith.constant 0 : i32
      %dma_start3A_114 = tpu.memref_slice %arg6[%dma_start3A_108, %dma_start3A_113] : memref<8x40xi32, #tpu.memory_space<vmem>> -> memref<1x40xi32, #tpu.memory_space<vmem>>
      %dma_start3A_115 = tpu.memref_squeeze %dma_start3A_114 : memref<1x40xi32, #tpu.memory_space<vmem>> -> memref<40xi32, #tpu.memory_space<vmem>>
      %dma_start3A_116 = tpu.memref_slice %arg3[%add3A_107] : memref<10000xi32, #tpu.memory_space<hbm>> -> memref<40xi32, #tpu.memory_space<hbm>>
      tpu.enqueue_dma source(%dma_start3A_116 : memref<40xi32, #tpu.memory_space<hbm>>) target(%dma_start3A_115 : memref<40xi32, #tpu.memory_space<vmem>>) target_semaphore(%arg11 : memref<!tpu.dma_semaphore, #tpu.memory_space<semaphore_mem>>)
      %add3A_117 = arith.constant 40 : i32
      %add3A_118 = arith.addi %mul3A_2, %add3A_117 : i32
      %dma_start3A_119 = arith.constant 1 : i32
      %dma_start3A_120 = arith.constant 0 : i32
      %dma_start3A_121 = arith.constant 0 : i32
      %dma_start3A_122 = tpu.memref_slice %arg5[%dma_start3A_119, %dma_start3A_120, %dma_start3A_121] : memref<8x40x128xf32, #tpu.memory_space<vmem>> -> memref<1x40x128xf32, #tpu.memory_space<vmem>>
      %dma_start3A_123 = tpu.memref_squeeze %dma_start3A_122 : memref<1x40x128xf32, #tpu.memory_space<vmem>> -> memref<40x128xf32, #tpu.memory_space<vmem>>
      %dma_start3A_124 = arith.constant 0 : i32
      %dma_start3A_125 = tpu.memref_slice %arg2[%add3A_118, %dma_start3A_124] : memref<10000x128xf32, #tpu.memory_space<hbm>> -> memref<40x128xf32, #tpu.memory_space<hbm>>
      %dma_start3A_126 = arith.constant 0 : i32
      %dma_start3A_127 = arith.constant 0 : i32
      %dma_start3A_128 = tpu.memref_slice %arg5[%dma_start3A_119, %dma_start3A_126, %dma_start3A_127] : memref<8x40x128xf32, #tpu.memory_space<vmem>> -> memref<1x40x128xf32, #tpu.memory_space<vmem>>
      %dma_start3A_129 = tpu.memref_squeeze %dma_start3A_128 : memref<1x40x128xf32, #tpu.memory_space<vmem>> -> memref<40x128xf32, #tpu.memory_space<vmem>>
      %dma_start3A_130 = arith.constant 0 : i32
      %dma_start3A_131 = tpu.memref_slice %arg2[%add3A_118, %dma_start3A_130] : memref<10000x128xf32, #tpu.memory_space<hbm>> -> memref<40x128xf32, #tpu.memory_space<hbm>>
      tpu.enqueue_dma source(%dma_start3A_131 : memref<40x128xf32, #tpu.memory_space<hbm>>) target(%dma_start3A_129 : memref<40x128xf32, #tpu.memory_space<vmem>>) target_semaphore(%arg9 : memref<!tpu.dma_semaphore, #tpu.memory_space<semaphore_mem>>)
    } else {
    }
    %lt3A = arith.constant 8 : i32
    %lt3A_31 = arith.cmpi slt, %arg1, %lt3A : i32
    %convert_element_type3A_32 = arith.extui %lt3A_31 : i1 to i32
    %cond3A_33 = arith.constant 0 : i32
    %cond3A_34 = arith.cmpi ne, %convert_element_type3A_32, %cond3A_33 : i32
    scf.if %cond3A_34 {
      %swap3A = arith.constant 0 : i32
      %swap3A_106 = arith.index_cast %swap3A : i32 to index
      %swap3A_107 = arith.constant 0 : index
      %swap3A_108 = tpu.vector_load %arg7[%swap3A_106, %swap3A_107] {strides = array<i32>} : memref<8x128xf32, #tpu.memory_space<vmem>>, vector<16xf32>,
      tpu.vector_store %arg7[%swap3A_106, %swap3A_107], %broadcast_in_dim3A_4 {strides = array<i32>} : memref<8x128xf32, #tpu.memory_space<vmem>>, vector<16xf32>,
      %swap3A_109 = arith.constant 0 : i32
      %swap3A_110 = arith.index_cast %swap3A_109 : i32 to index
      %swap3A_111 = arith.constant 16 : index
      %swap3A_112 = tpu.vector_load %arg7[%swap3A_110, %swap3A_111] {strides = array<i32>} : memref<8x128xf32, #tpu.memory_space<vmem>>, vector<16xf32>,
      tpu.vector_store %arg7[%swap3A_110, %swap3A_111], %broadcast_in_dim3A_4 {strides = array<i32>} : memref<8x128xf32, #tpu.memory_space<vmem>>, vector<16xf32>,
      %swap3A_113 = arith.constant 0 : i32
      %swap3A_114 = arith.index_cast %swap3A_113 : i32 to index
      %swap3A_115 = arith.constant 32 : index
      %swap3A_116 = tpu.vector_load %arg7[%swap3A_114, %swap3A_115] {strides = array<i32>} : memref<8x128xf32, #tpu.memory_space<vmem>>, vector<16xf32>,
      tpu.vector_store %arg7[%swap3A_114, %swap3A_115], %broadcast_in_dim3A_4 {strides = array<i32>} : memref<8x128xf32, #tpu.memory_space<vmem>>, vector<16xf32>,
      %swap3A_117 = arith.constant 0 : i32
      %swap3A_118 = arith.index_cast %swap3A_117 : i32 to index
      %swap3A_119 = arith.constant 48 : index
      %swap3A_120 = tpu.vector_load %arg7[%swap3A_118, %swap3A_119] {strides = array<i32>} : memref<8x128xf32, #tpu.memory_space<vmem>>, vector<16xf32>,
      tpu.vector_store %arg7[%swap3A_118, %swap3A_119], %broadcast_in_dim3A_4 {strides = array<i32>} : memref<8x128xf32, #tpu.memory_space<vmem>>, vector<16xf32>,
      %swap3A_121 = arith.constant 0 : i32
      %swap3A_122 = arith.index_cast %swap3A_121 : i32 to index
      %swap3A_123 = arith.constant 64 : index
      %swap3A_124 = tpu.vector_load %arg7[%swap3A_122, %swap3A_123] {strides = array<i32>} : memref<8x128xf32, #tpu.memory_space<vmem>>, vector<16xf32>,
      tpu.vector_store %arg7[%swap3A_122, %swap3A_123], %broadcast_in_dim3A_4 {strides = array<i32>} : memref<8x128xf32, #tpu.memory_space<vmem>>, vector<16xf32>,
      %swap3A_125 = arith.constant 0 : i32
      %swap3A_126 = arith.index_cast %swap3A_125 : i32 to index
      %swap3A_127 = arith.constant 80 : index
      %swap3A_128 = tpu.vector_load %arg7[%swap3A_126, %swap3A_127] {strides = array<i32>} : memref<8x128xf32, #tpu.memory_space<vmem>>, vector<16xf32>,
      tpu.vector_store %arg7[%swap3A_126, %swap3A_127], %broadcast_in_dim3A_4 {strides = array<i32>} : memref<8x128xf32, #tpu.memory_space<vmem>>, vector<16xf32>,
      %swap3A_129 = arith.constant 0 : i32
      %swap3A_130 = arith.index_cast %swap3A_129 : i32 to index
      %swap3A_131 = arith.constant 96 : index
      %swap3A_132 = tpu.vector_load %arg7[%swap3A_130, %swap3A_131] {strides = array<i32>} : memref<8x128xf32, #tpu.memory_space<vmem>>, vector<16xf32>,
      tpu.vector_store %arg7[%swap3A_130, %swap3A_131], %broadcast_in_dim3A_4 {strides = array<i32>} : memref<8x128xf32, #tpu.memory_space<vmem>>, vector<16xf32>,
      %swap3A_133 = arith.constant 0 : i32
      %swap3A_134 = arith.index_cast %swap3A_133 : i32 to index
      %swap3A_135 = arith.constant 112 : index
      %swap3A_136 = tpu.vector_load %arg7[%swap3A_134, %swap3A_135] {strides = array<i32>} : memref<8x128xf32, #tpu.memory_space<vmem>>, vector<16xf32>,
      tpu.vector_store %arg7[%swap3A_134, %swap3A_135], %broadcast_in_dim3A_4 {strides = array<i32>} : memref<8x128xf32, #tpu.memory_space<vmem>>, vector<16xf32>,
      %swap3A_137 = arith.constant 1 : i32
      %swap3A_138 = arith.index_cast %swap3A_137 : i32 to index
      %swap3A_139 = arith.constant 0 : index
      %swap3A_140 = tpu.vector_load %arg7[%swap3A_138, %swap3A_139] {strides = array<i32>} : memref<8x128xf32, #tpu.memory_space<vmem>>, vector<16xf32>,
      tpu.vector_store %arg7[%swap3A_138, %swap3A_139], %broadcast_in_dim3A_4 {strides = array<i32>} : memref<8x128xf32, #tpu.memory_space<vmem>>, vector<16xf32>,
      %swap3A_141 = arith.constant 1 : i32
      %swap3A_142 = arith.index_cast %swap3A_141 : i32 to index
      %swap3A_143 = arith.constant 16 : index
      %swap3A_144 = tpu.vector_load %arg7[%swap3A_142, %swap3A_143] {strides = array<i32>} : memref<8x128xf32, #tpu.memory_space<vmem>>, vector<16xf32>,
      tpu.vector_store %arg7[%swap3A_142, %swap3A_143], %broadcast_in_dim3A_4 {strides = array<i32>} : memref<8x128xf32, #tpu.memory_space<vmem>>, vector<16xf32>,
      %swap3A_145 = arith.constant 1 : i32
      %swap3A_146 = arith.index_cast %swap3A_145 : i32 to index
      %swap3A_147 = arith.constant 32 : index
      %swap3A_148 = tpu.vector_load %arg7[%swap3A_146, %swap3A_147] {strides = array<i32>} : memref<8x128xf32, #tpu.memory_space<vmem>>, vector<16xf32>,
      tpu.vector_store %arg7[%swap3A_146, %swap3A_147], %broadcast_in_dim3A_4 {strides = array<i32>} : memref<8x128xf32, #tpu.memory_space<vmem>>, vector<16xf32>,
      %swap3A_149 = arith.constant 1 : i32
      %swap3A_150 = arith.index_cast %swap3A_149 : i32 to index
      %swap3A_151 = arith.constant 48 : index
      %swap3A_152 = tpu.vector_load %arg7[%swap3A_150, %swap3A_151] {strides = array<i32>} : memref<8x128xf32, #tpu.memory_space<vmem>>, vector<16xf32>,
      tpu.vector_store %arg7[%swap3A_150, %swap3A_151], %broadcast_in_dim3A_4 {strides = array<i32>} : memref<8x128xf32, #tpu.memory_space<vmem>>, vector<16xf32>,
      %swap3A_153 = arith.constant 1 : i32
      %swap3A_154 = arith.index_cast %swap3A_153 : i32 to index
      %swap3A_155 = arith.constant 64 : index
      %swap3A_156 = tpu.vector_load %arg7[%swap3A_154, %swap3A_155] {strides = array<i32>} : memref<8x128xf32, #tpu.memory_space<vmem>>, vector<16xf32>,
      tpu.vector_store %arg7[%swap3A_154, %swap3A_155], %broadcast_in_dim3A_4 {strides = array<i32>} : memref<8x128xf32, #tpu.memory_space<vmem>>, vector<16xf32>,
      %swap3A_157 = arith.constant 1 : i32
      %swap3A_158 = arith.index_cast %swap3A_157 : i32 to index
      %swap3A_159 = arith.constant 80 : index
      %swap3A_160 = tpu.vector_load %arg7[%swap3A_158, %swap3A_159] {strides = array<i32>} : memref<8x128xf32, #tpu.memory_space<vmem>>, vector<16xf32>,
      tpu.vector_store %arg7[%swap3A_158, %swap3A_159], %broadcast_in_dim3A_4 {strides = array<i32>} : memref<8x128xf32, #tpu.memory_space<vmem>>, vector<16xf32>,
      %swap3A_161 = arith.constant 1 : i32
      %swap3A_162 = arith.index_cast %swap3A_161 : i32 to index
      %swap3A_163 = arith.constant 96 : index
      %swap3A_164 = tpu.vector_load %arg7[%swap3A_162, %swap3A_163] {strides = array<i32>} : memref<8x128xf32, #tpu.memory_space<vmem>>, vector<16xf32>,
      tpu.vector_store %arg7[%swap3A_162, %swap3A_163], %broadcast_in_dim3A_4 {strides = array<i32>} : memref<8x128xf32, #tpu.memory_space<vmem>>, vector<16xf32>,
      %swap3A_165 = arith.constant 1 : i32
      %swap3A_166 = arith.index_cast %swap3A_165 : i32 to index
      %swap3A_167 = arith.constant 112 : index
      %swap3A_168 = tpu.vector_load %arg7[%swap3A_166, %swap3A_167] {strides = array<i32>} : memref<8x128xf32, #tpu.memory_space<vmem>>, vector<16xf32>,
      tpu.vector_store %arg7[%swap3A_166, %swap3A_167], %broadcast_in_dim3A_4 {strides = array<i32>} : memref<8x128xf32, #tpu.memory_space<vmem>>, vector<16xf32>,
      %swap3A_169 = arith.constant 2 : i32
      %swap3A_170 = arith.index_cast %swap3A_169 : i32 to index
      %swap3A_171 = arith.constant 0 : index
      %swap3A_172 = tpu.vector_load %arg7[%swap3A_170, %swap3A_171] {strides = array<i32>} : memref<8x128xf32, #tpu.memory_space<vmem>>, vector<16xf32>,
      tpu.vector_store %arg7[%swap3A_170, %swap3A_171], %broadcast_in_dim3A_4 {strides = array<i32>} : memref<8x128xf32, #tpu.memory_space<vmem>>, vector<16xf32>,
      %swap3A_173 = arith.constant 2 : i32
      %swap3A_174 = arith.index_cast %swap3A_173 : i32 to index
      %swap3A_175 = arith.constant 16 : index
      %swap3A_176 = tpu.vector_load %arg7[%swap3A_174, %swap3A_175] {strides = array<i32>} : memref<8x128xf32, #tpu.memory_space<vmem>>, vector<16xf32>,
      tpu.vector_store %arg7[%swap3A_174, %swap3A_175], %broadcast_in_dim3A_4 {strides = array<i32>} : memref<8x128xf32, #tpu.memory_space<vmem>>, vector<16xf32>,
      %swap3A_177 = arith.constant 2 : i32
      %swap3A_178 = arith.index_cast %swap3A_177 : i32 to index
      %swap3A_179 = arith.constant 32 : index
      %swap3A_180 = tpu.vector_load %arg7[%swap3A_178, %swap3A_179] {strides = array<i32>} : memref<8x128xf32, #tpu.memory_space<vmem>>, vector<16xf32>,
      tpu.vector_store %arg7[%swap3A_178, %swap3A_179], %broadcast_in_dim3A_4 {strides = array<i32>} : memref<8x128xf32, #tpu.memory_space<vmem>>, vector<16xf32>,
      %swap3A_181 = arith.constant 2 : i32
      %swap3A_182 = arith.index_cast %swap3A_181 : i32 to index
      %swap3A_183 = arith.constant 48 : index
      %swap3A_184 = tpu.vector_load %arg7[%swap3A_182, %swap3A_183] {strides = array<i32>} : memref<8x128xf32, #tpu.memory_space<vmem>>, vector<16xf32>,
      tpu.vector_store %arg7[%swap3A_182, %swap3A_183], %broadcast_in_dim3A_4 {strides = array<i32>} : memref<8x128xf32, #tpu.memory_space<vmem>>, vector<16xf32>,
      %swap3A_185 = arith.constant 2 : i32
      %swap3A_186 = arith.index_cast %swap3A_185 : i32 to index
      %swap3A_187 = arith.constant 64 : index
      %swap3A_188 = tpu.vector_load %arg7[%swap3A_186, %swap3A_187] {strides = array<i32>} : memref<8x128xf32, #tpu.memory_space<vmem>>, vector<16xf32>,
      tpu.vector_store %arg7[%swap3A_186, %swap3A_187], %broadcast_in_dim3A_4 {strides = array<i32>} : memref<8x128xf32, #tpu.memory_space<vmem>>, vector<16xf32>,
      %swap3A_189 = arith.constant 2 : i32
      %swap3A_190 = arith.index_cast %swap3A_189 : i32 to index
      %swap3A_191 = arith.constant 80 : index
      %swap3A_192 = tpu.vector_load %arg7[%swap3A_190, %swap3A_191] {strides = array<i32>} : memref<8x128xf32, #tpu.memory_space<vmem>>, vector<16xf32>,
      tpu.vector_store %arg7[%swap3A_190, %swap3A_191], %broadcast_in_dim3A_4 {strides = array<i32>} : memref<8x128xf32, #tpu.memory_space<vmem>>, vector<16xf32>,
      %swap3A_193 = arith.constant 2 : i32
      %swap3A_194 = arith.index_cast %swap3A_193 : i32 to index
      %swap3A_195 = arith.constant 96 : index
      %swap3A_196 = tpu.vector_load %arg7[%swap3A_194, %swap3A_195] {strides = array<i32>} : memref<8x128xf32, #tpu.memory_space<vmem>>, vector<16xf32>,
      tpu.vector_store %arg7[%swap3A_194, %swap3A_195], %broadcast_in_dim3A_4 {strides = array<i32>} : memref<8x128xf32, #tpu.memory_space<vmem>>, vector<16xf32>,
      %swap3A_197 = arith.constant 2 : i32
      %swap3A_198 = arith.index_cast %swap3A_197 : i32 to index
      %swap3A_199 = arith.constant 112 : index
      %swap3A_200 = tpu.vector_load %arg7[%swap3A_198, %swap3A_199] {strides = array<i32>} : memref<8x128xf32, #tpu.memory_space<vmem>>, vector<16xf32>,
      tpu.vector_store %arg7[%swap3A_198, %swap3A_199], %broadcast_in_dim3A_4 {strides = array<i32>} : memref<8x128xf32, #tpu.memory_space<vmem>>, vector<16xf32>,
      %swap3A_201 = arith.constant 3 : i32
      %swap3A_202 = arith.index_cast %swap3A_201 : i32 to index
      %swap3A_203 = arith.constant 0 : index
      %swap3A_204 = tpu.vector_load %arg7[%swap3A_202, %swap3A_203] {strides = array<i32>} : memref<8x128xf32, #tpu.memory_space<vmem>>, vector<16xf32>,
      tpu.vector_store %arg7[%swap3A_202, %swap3A_203], %broadcast_in_dim3A_4 {strides = array<i32>} : memref<8x128xf32, #tpu.memory_space<vmem>>, vector<16xf32>,
      %swap3A_205 = arith.constant 3 : i32
      %swap3A_206 = arith.index_cast %swap3A_205 : i32 to index
      %swap3A_207 = arith.constant 16 : index
      %swap3A_208 = tpu.vector_load %arg7[%swap3A_206, %swap3A_207] {strides = array<i32>} : memref<8x128xf32, #tpu.memory_space<vmem>>, vector<16xf32>,
      tpu.vector_store %arg7[%swap3A_206, %swap3A_207], %broadcast_in_dim3A_4 {strides = array<i32>} : memref<8x128xf32, #tpu.memory_space<vmem>>, vector<16xf32>,
      %swap3A_209 = arith.constant 3 : i32
      %swap3A_210 = arith.index_cast %swap3A_209 : i32 to index
      %swap3A_211 = arith.constant 32 : index
      %swap3A_212 = tpu.vector_load %arg7[%swap3A_210, %swap3A_211] {strides = array<i32>} : memref<8x128xf32, #tpu.memory_space<vmem>>, vector<16xf32>,
      tpu.vector_store %arg7[%swap3A_210, %swap3A_211], %broadcast_in_dim3A_4 {strides = array<i32>} : memref<8x128xf32, #tpu.memory_space<vmem>>, vector<16xf32>,
      %swap3A_213 = arith.constant 3 : i32
      %swap3A_214 = arith.index_cast %swap3A_213 : i32 to index
      %swap3A_215 = arith.constant 48 : index
      %swap3A_216 = tpu.vector_load %arg7[%swap3A_214, %swap3A_215] {strides = array<i32>} : memref<8x128xf32, #tpu.memory_space<vmem>>, vector<16xf32>,
      tpu.vector_store %arg7[%swap3A_214, %swap3A_215], %broadcast_in_dim3A_4 {strides = array<i32>} : memref<8x128xf32, #tpu.memory_space<vmem>>, vector<16xf32>,
      %swap3A_217 = arith.constant 3 : i32
      %swap3A_218 = arith.index_cast %swap3A_217 : i32 to index
      %swap3A_219 = arith.constant 64 : index
      %swap3A_220 = tpu.vector_load %arg7[%swap3A_218, %swap3A_219] {strides = array<i32>} : memref<8x128xf32, #tpu.memory_space<vmem>>, vector<16xf32>,
      tpu.vector_store %arg7[%swap3A_218, %swap3A_219], %broadcast_in_dim3A_4 {strides = array<i32>} : memref<8x128xf32, #tpu.memory_space<vmem>>, vector<16xf32>,
      %swap3A_221 = arith.constant 3 : i32
      %swap3A_222 = arith.index_cast %swap3A_221 : i32 to index
      %swap3A_223 = arith.constant 80 : index
      %swap3A_224 = tpu.vector_load %arg7[%swap3A_222, %swap3A_223] {strides = array<i32>} : memref<8x128xf32, #tpu.memory_space<vmem>>, vector<16xf32>,
      tpu.vector_store %arg7[%swap3A_222, %swap3A_223], %broadcast_in_dim3A_4 {strides = array<i32>} : memref<8x128xf32, #tpu.memory_space<vmem>>, vector<16xf32>,
      %swap3A_225 = arith.constant 3 : i32
      %swap3A_226 = arith.index_cast %swap3A_225 : i32 to index
      %swap3A_227 = arith.constant 96 : index
      %swap3A_228 = tpu.vector_load %arg7[%swap3A_226, %swap3A_227] {strides = array<i32>} : memref<8x128xf32, #tpu.memory_space<vmem>>, vector<16xf32>,
      tpu.vector_store %arg7[%swap3A_226, %swap3A_227], %broadcast_in_dim3A_4 {strides = array<i32>} : memref<8x128xf32, #tpu.memory_space<vmem>>, vector<16xf32>,
      %swap3A_229 = arith.constant 3 : i32
      %swap3A_230 = arith.index_cast %swap3A_229 : i32 to index
      %swap3A_231 = arith.constant 112 : index
      %swap3A_232 = tpu.vector_load %arg7[%swap3A_230, %swap3A_231] {strides = array<i32>} : memref<8x128xf32, #tpu.memory_space<vmem>>, vector<16xf32>,
      tpu.vector_store %arg7[%swap3A_230, %swap3A_231], %broadcast_in_dim3A_4 {strides = array<i32>} : memref<8x128xf32, #tpu.memory_space<vmem>>, vector<16xf32>,
      %swap3A_233 = arith.constant 4 : i32
      %swap3A_234 = arith.index_cast %swap3A_233 : i32 to index
      %swap3A_235 = arith.constant 0 : index
      %swap3A_236 = tpu.vector_load %arg7[%swap3A_234, %swap3A_235] {strides = array<i32>} : memref<8x128xf32, #tpu.memory_space<vmem>>, vector<16xf32>,
      tpu.vector_store %arg7[%swap3A_234, %swap3A_235], %broadcast_in_dim3A_4 {strides = array<i32>} : memref<8x128xf32, #tpu.memory_space<vmem>>, vector<16xf32>,
      %swap3A_237 = arith.constant 4 : i32
      %swap3A_238 = arith.index_cast %swap3A_237 : i32 to index
      %swap3A_239 = arith.constant 16 : index
      %swap3A_240 = tpu.vector_load %arg7[%swap3A_238, %swap3A_239] {strides = array<i32>} : memref<8x128xf32, #tpu.memory_space<vmem>>, vector<16xf32>,
      tpu.vector_store %arg7[%swap3A_238, %swap3A_239], %broadcast_in_dim3A_4 {strides = array<i32>} : memref<8x128xf32, #tpu.memory_space<vmem>>, vector<16xf32>,
      %swap3A_241 = arith.constant 4 : i32
      %swap3A_242 = arith.index_cast %swap3A_241 : i32 to index
      %swap3A_243 = arith.constant 32 : index
      %swap3A_244 = tpu.vector_load %arg7[%swap3A_242, %swap3A_243] {strides = array<i32>} : memref<8x128xf32, #tpu.memory_space<vmem>>, vector<16xf32>,
      tpu.vector_store %arg7[%swap3A_242, %swap3A_243], %broadcast_in_dim3A_4 {strides = array<i32>} : memref<8x128xf32, #tpu.memory_space<vmem>>, vector<16xf32>,
      %swap3A_245 = arith.constant 4 : i32
      %swap3A_246 = arith.index_cast %swap3A_245 : i32 to index
      %swap3A_247 = arith.constant 48 : index
      %swap3A_248 = tpu.vector_load %arg7[%swap3A_246, %swap3A_247] {strides = array<i32>} : memref<8x128xf32, #tpu.memory_space<vmem>>, vector<16xf32>,
      tpu.vector_store %arg7[%swap3A_246, %swap3A_247], %broadcast_in_dim3A_4 {strides = array<i32>} : memref<8x128xf32, #tpu.memory_space<vmem>>, vector<16xf32>,
      %swap3A_249 = arith.constant 4 : i32
      %swap3A_250 = arith.index_cast %swap3A_249 : i32 to index
      %swap3A_251 = arith.constant 64 : index
      %swap3A_252 = tpu.vector_load %arg7[%swap3A_250, %swap3A_251] {strides = array<i32>} : memref<8x128xf32, #tpu.memory_space<vmem>>, vector<16xf32>,
      tpu.vector_store %arg7[%swap3A_250, %swap3A_251], %broadcast_in_dim3A_4 {strides = array<i32>} : memref<8x128xf32, #tpu.memory_space<vmem>>, vector<16xf32>,
      %swap3A_253 = arith.constant 4 : i32
      %swap3A_254 = arith.index_cast %swap3A_253 : i32 to index
      %swap3A_255 = arith.constant 80 : index
      %swap3A_256 = tpu.vector_load %arg7[%swap3A_254, %swap3A_255] {strides = array<i32>} : memref<8x128xf32, #tpu.memory_space<vmem>>, vector<16xf32>,
      tpu.vector_store %arg7[%swap3A_254, %swap3A_255], %broadcast_in_dim3A_4 {strides = array<i32>} : memref<8x128xf32, #tpu.memory_space<vmem>>, vector<16xf32>,
      %swap3A_257 = arith.constant 4 : i32
      %swap3A_258 = arith.index_cast %swap3A_257 : i32 to index
      %swap3A_259 = arith.constant 96 : index
      %swap3A_260 = tpu.vector_load %arg7[%swap3A_258, %swap3A_259] {strides = array<i32>} : memref<8x128xf32, #tpu.memory_space<vmem>>, vector<16xf32>,
      tpu.vector_store %arg7[%swap3A_258, %swap3A_259], %broadcast_in_dim3A_4 {strides = array<i32>} : memref<8x128xf32, #tpu.memory_space<vmem>>, vector<16xf32>,
      %swap3A_261 = arith.constant 4 : i32
      %swap3A_262 = arith.index_cast %swap3A_261 : i32 to index
      %swap3A_263 = arith.constant 112 : index
      %swap3A_264 = tpu.vector_load %arg7[%swap3A_262, %swap3A_263] {strides = array<i32>} : memref<8x128xf32, #tpu.memory_space<vmem>>, vector<16xf32>,
      tpu.vector_store %arg7[%swap3A_262, %swap3A_263], %broadcast_in_dim3A_4 {strides = array<i32>} : memref<8x128xf32, #tpu.memory_space<vmem>>, vector<16xf32>,
      %swap3A_265 = arith.constant 5 : i32
      %swap3A_266 = arith.index_cast %swap3A_265 : i32 to index
      %swap3A_267 = arith.constant 0 : index
      %swap3A_268 = tpu.vector_load %arg7[%swap3A_266, %swap3A_267] {strides = array<i32>} : memref<8x128xf32, #tpu.memory_space<vmem>>, vector<16xf32>,
      tpu.vector_store %arg7[%swap3A_266, %swap3A_267], %broadcast_in_dim3A_4 {strides = array<i32>} : memref<8x128xf32, #tpu.memory_space<vmem>>, vector<16xf32>,
      %swap3A_269 = arith.constant 5 : i32
      %swap3A_270 = arith.index_cast %swap3A_269 : i32 to index
      %swap3A_271 = arith.constant 16 : index
      %swap3A_272 = tpu.vector_load %arg7[%swap3A_270, %swap3A_271] {strides = array<i32>} : memref<8x128xf32, #tpu.memory_space<vmem>>, vector<16xf32>,
      tpu.vector_store %arg7[%swap3A_270, %swap3A_271], %broadcast_in_dim3A_4 {strides = array<i32>} : memref<8x128xf32, #tpu.memory_space<vmem>>, vector<16xf32>,
      %swap3A_273 = arith.constant 5 : i32
      %swap3A_274 = arith.index_cast %swap3A_273 : i32 to index
      %swap3A_275 = arith.constant 32 : index
      %swap3A_276 = tpu.vector_load %arg7[%swap3A_274, %swap3A_275] {strides = array<i32>} : memref<8x128xf32, #tpu.memory_space<vmem>>, vector<16xf32>,
      tpu.vector_store %arg7[%swap3A_274, %swap3A_275], %broadcast_in_dim3A_4 {strides = array<i32>} : memref<8x128xf32, #tpu.memory_space<vmem>>, vector<16xf32>,
      %swap3A_277 = arith.constant 5 : i32
      %swap3A_278 = arith.index_cast %swap3A_277 : i32 to index
      %swap3A_279 = arith.constant 48 : index
      %swap3A_280 = tpu.vector_load %arg7[%swap3A_278, %swap3A_279] {strides = array<i32>} : memref<8x128xf32, #tpu.memory_space<vmem>>, vector<16xf32>,
      tpu.vector_store %arg7[%swap3A_278, %swap3A_279], %broadcast_in_dim3A_4 {strides = array<i32>} : memref<8x128xf32, #tpu.memory_space<vmem>>, vector<16xf32>,
      %swap3A_281 = arith.constant 5 : i32
      %swap3A_282 = arith.index_cast %swap3A_281 : i32 to index
      %swap3A_283 = arith.constant 64 : index
      %swap3A_284 = tpu.vector_load %arg7[%swap3A_282, %swap3A_283] {strides = array<i32>} : memref<8x128xf32, #tpu.memory_space<vmem>>, vector<16xf32>,
      tpu.vector_store %arg7[%swap3A_282, %swap3A_283], %broadcast_in_dim3A_4 {strides = array<i32>} : memref<8x128xf32, #tpu.memory_space<vmem>>, vector<16xf32>,
      %swap3A_285 = arith.constant 5 : i32
      %swap3A_286 = arith.index_cast %swap3A_285 : i32 to index
      %swap3A_287 = arith.constant 80 : index
      %swap3A_288 = tpu.vector_load %arg7[%swap3A_286, %swap3A_287] {strides = array<i32>} : memref<8x128xf32, #tpu.memory_space<vmem>>, vector<16xf32>,
      tpu.vector_store %arg7[%swap3A_286, %swap3A_287], %broadcast_in_dim3A_4 {strides = array<i32>} : memref<8x128xf32, #tpu.memory_space<vmem>>, vector<16xf32>,
      %swap3A_289 = arith.constant 5 : i32
      %swap3A_290 = arith.index_cast %swap3A_289 : i32 to index
      %swap3A_291 = arith.constant 96 : index
      %swap3A_292 = tpu.vector_load %arg7[%swap3A_290, %swap3A_291] {strides = array<i32>} : memref<8x128xf32, #tpu.memory_space<vmem>>, vector<16xf32>,
      tpu.vector_store %arg7[%swap3A_290, %swap3A_291], %broadcast_in_dim3A_4 {strides = array<i32>} : memref<8x128xf32, #tpu.memory_space<vmem>>, vector<16xf32>,
      %swap3A_293 = arith.constant 5 : i32
      %swap3A_294 = arith.index_cast %swap3A_293 : i32 to index
      %swap3A_295 = arith.constant 112 : index
      %swap3A_296 = tpu.vector_load %arg7[%swap3A_294, %swap3A_295] {strides = array<i32>} : memref<8x128xf32, #tpu.memory_space<vmem>>, vector<16xf32>,
      tpu.vector_store %arg7[%swap3A_294, %swap3A_295], %broadcast_in_dim3A_4 {strides = array<i32>} : memref<8x128xf32, #tpu.memory_space<vmem>>, vector<16xf32>,
      %swap3A_297 = arith.constant 6 : i32
      %swap3A_298 = arith.index_cast %swap3A_297 : i32 to index
      %swap3A_299 = arith.constant 0 : index
      %swap3A_300 = tpu.vector_load %arg7[%swap3A_298, %swap3A_299] {strides = array<i32>} : memref<8x128xf32, #tpu.memory_space<vmem>>, vector<16xf32>,
      tpu.vector_store %arg7[%swap3A_298, %swap3A_299], %broadcast_in_dim3A_4 {strides = array<i32>} : memref<8x128xf32, #tpu.memory_space<vmem>>, vector<16xf32>,
      %swap3A_301 = arith.constant 6 : i32
      %swap3A_302 = arith.index_cast %swap3A_301 : i32 to index
      %swap3A_303 = arith.constant 16 : index
      %swap3A_304 = tpu.vector_load %arg7[%swap3A_302, %swap3A_303] {strides = array<i32>} : memref<8x128xf32, #tpu.memory_space<vmem>>, vector<16xf32>,
      tpu.vector_store %arg7[%swap3A_302, %swap3A_303], %broadcast_in_dim3A_4 {strides = array<i32>} : memref<8x128xf32, #tpu.memory_space<vmem>>, vector<16xf32>,
      %swap3A_305 = arith.constant 6 : i32
      %swap3A_306 = arith.index_cast %swap3A_305 : i32 to index
      %swap3A_307 = arith.constant 32 : index
      %swap3A_308 = tpu.vector_load %arg7[%swap3A_306, %swap3A_307] {strides = array<i32>} : memref<8x128xf32, #tpu.memory_space<vmem>>, vector<16xf32>,
      tpu.vector_store %arg7[%swap3A_306, %swap3A_307], %broadcast_in_dim3A_4 {strides = array<i32>} : memref<8x128xf32, #tpu.memory_space<vmem>>, vector<16xf32>,
      %swap3A_309 = arith.constant 6 : i32
      %swap3A_310 = arith.index_cast %swap3A_309 : i32 to index
      %swap3A_311 = arith.constant 48 : index
      %swap3A_312 = tpu.vector_load %arg7[%swap3A_310, %swap3A_311] {strides = array<i32>} : memref<8x128xf32, #tpu.memory_space<vmem>>, vector<16xf32>,
      tpu.vector_store %arg7[%swap3A_310, %swap3A_311], %broadcast_in_dim3A_4 {strides = array<i32>} : memref<8x128xf32, #tpu.memory_space<vmem>>, vector<16xf32>,
      %swap3A_313 = arith.constant 6 : i32
      %swap3A_314 = arith.index_cast %swap3A_313 : i32 to index
      %swap3A_315 = arith.constant 64 : index
      %swap3A_316 = tpu.vector_load %arg7[%swap3A_314, %swap3A_315] {strides = array<i32>} : memref<8x128xf32, #tpu.memory_space<vmem>>, vector<16xf32>,
      tpu.vector_store %arg7[%swap3A_314, %swap3A_315], %broadcast_in_dim3A_4 {strides = array<i32>} : memref<8x128xf32, #tpu.memory_space<vmem>>, vector<16xf32>,
      %swap3A_317 = arith.constant 6 : i32
      %swap3A_318 = arith.index_cast %swap3A_317 : i32 to index
      %swap3A_319 = arith.constant 80 : index
      %swap3A_320 = tpu.vector_load %arg7[%swap3A_318, %swap3A_319] {strides = array<i32>} : memref<8x128xf32, #tpu.memory_space<vmem>>, vector<16xf32>,
      tpu.vector_store %arg7[%swap3A_318, %swap3A_319], %broadcast_in_dim3A_4 {strides = array<i32>} : memref<8x128xf32, #tpu.memory_space<vmem>>, vector<16xf32>,
      %swap3A_321 = arith.constant 6 : i32
      %swap3A_322 = arith.index_cast %swap3A_321 : i32 to index
      %swap3A_323 = arith.constant 96 : index
      %swap3A_324 = tpu.vector_load %arg7[%swap3A_322, %swap3A_323] {strides = array<i32>} : memref<8x128xf32, #tpu.memory_space<vmem>>, vector<16xf32>,
      tpu.vector_store %arg7[%swap3A_322, %swap3A_323], %broadcast_in_dim3A_4 {strides = array<i32>} : memref<8x128xf32, #tpu.memory_space<vmem>>, vector<16xf32>,
      %swap3A_325 = arith.constant 6 : i32
      %swap3A_326 = arith.index_cast %swap3A_325 : i32 to index
      %swap3A_327 = arith.constant 112 : index
      %swap3A_328 = tpu.vector_load %arg7[%swap3A_326, %swap3A_327] {strides = array<i32>} : memref<8x128xf32, #tpu.memory_space<vmem>>, vector<16xf32>,
      tpu.vector_store %arg7[%swap3A_326, %swap3A_327], %broadcast_in_dim3A_4 {strides = array<i32>} : memref<8x128xf32, #tpu.memory_space<vmem>>, vector<16xf32>,
      %swap3A_329 = arith.constant 7 : i32
      %swap3A_330 = arith.index_cast %swap3A_329 : i32 to index
      %swap3A_331 = arith.constant 0 : index
      %swap3A_332 = tpu.vector_load %arg7[%swap3A_330, %swap3A_331] {strides = array<i32>} : memref<8x128xf32, #tpu.memory_space<vmem>>, vector<16xf32>,
      tpu.vector_store %arg7[%swap3A_330, %swap3A_331], %broadcast_in_dim3A_4 {strides = array<i32>} : memref<8x128xf32, #tpu.memory_space<vmem>>, vector<16xf32>,
      %swap3A_333 = arith.constant 7 : i32
      %swap3A_334 = arith.index_cast %swap3A_333 : i32 to index
      %swap3A_335 = arith.constant 16 : index
      %swap3A_336 = tpu.vector_load %arg7[%swap3A_334, %swap3A_335] {strides = array<i32>} : memref<8x128xf32, #tpu.memory_space<vmem>>, vector<16xf32>,
      tpu.vector_store %arg7[%swap3A_334, %swap3A_335], %broadcast_in_dim3A_4 {strides = array<i32>} : memref<8x128xf32, #tpu.memory_space<vmem>>, vector<16xf32>,
      %swap3A_337 = arith.constant 7 : i32
      %swap3A_338 = arith.index_cast %swap3A_337 : i32 to index
      %swap3A_339 = arith.constant 32 : index
      %swap3A_340 = tpu.vector_load %arg7[%swap3A_338, %swap3A_339] {strides = array<i32>} : memref<8x128xf32, #tpu.memory_space<vmem>>, vector<16xf32>,
      tpu.vector_store %arg7[%swap3A_338, %swap3A_339], %broadcast_in_dim3A_4 {strides = array<i32>} : memref<8x128xf32, #tpu.memory_space<vmem>>, vector<16xf32>,
      %swap3A_341 = arith.constant 7 : i32
      %swap3A_342 = arith.index_cast %swap3A_341 : i32 to index
      %swap3A_343 = arith.constant 48 : index
      %swap3A_344 = tpu.vector_load %arg7[%swap3A_342, %swap3A_343] {strides = array<i32>} : memref<8x128xf32, #tpu.memory_space<vmem>>, vector<16xf32>,
      tpu.vector_store %arg7[%swap3A_342, %swap3A_343], %broadcast_in_dim3A_4 {strides = array<i32>} : memref<8x128xf32, #tpu.memory_space<vmem>>, vector<16xf32>,
      %swap3A_345 = arith.constant 7 : i32
      %swap3A_346 = arith.index_cast %swap3A_345 : i32 to index
      %swap3A_347 = arith.constant 64 : index
      %swap3A_348 = tpu.vector_load %arg7[%swap3A_346, %swap3A_347] {strides = array<i32>} : memref<8x128xf32, #tpu.memory_space<vmem>>, vector<16xf32>,
      tpu.vector_store %arg7[%swap3A_346, %swap3A_347], %broadcast_in_dim3A_4 {strides = array<i32>} : memref<8x128xf32, #tpu.memory_space<vmem>>, vector<16xf32>,
      %swap3A_349 = arith.constant 7 : i32
      %swap3A_350 = arith.index_cast %swap3A_349 : i32 to index
      %swap3A_351 = arith.constant 80 : index
      %swap3A_352 = tpu.vector_load %arg7[%swap3A_350, %swap3A_351] {strides = array<i32>} : memref<8x128xf32, #tpu.memory_space<vmem>>, vector<16xf32>,
      tpu.vector_store %arg7[%swap3A_350, %swap3A_351], %broadcast_in_dim3A_4 {strides = array<i32>} : memref<8x128xf32, #tpu.memory_space<vmem>>, vector<16xf32>,
      %swap3A_353 = arith.constant 7 : i32
      %swap3A_354 = arith.index_cast %swap3A_353 : i32 to index
      %swap3A_355 = arith.constant 96 : index
      %swap3A_356 = tpu.vector_load %arg7[%swap3A_354, %swap3A_355] {strides = array<i32>} : memref<8x128xf32, #tpu.memory_space<vmem>>, vector<16xf32>,
      tpu.vector_store %arg7[%swap3A_354, %swap3A_355], %broadcast_in_dim3A_4 {strides = array<i32>} : memref<8x128xf32, #tpu.memory_space<vmem>>, vector<16xf32>,
      %swap3A_357 = arith.constant 7 : i32
      %swap3A_358 = arith.index_cast %swap3A_357 : i32 to index
      %swap3A_359 = arith.constant 112 : index
      %swap3A_360 = tpu.vector_load %arg7[%swap3A_358, %swap3A_359] {strides = array<i32>} : memref<8x128xf32, #tpu.memory_space<vmem>>, vector<16xf32>,
      tpu.vector_store %arg7[%swap3A_358, %swap3A_359], %broadcast_in_dim3A_4 {strides = array<i32>} : memref<8x128xf32, #tpu.memory_space<vmem>>, vector<16xf32>,
      %mul3A_361 = arith.constant 8 : i32
      %mul3A_362 = arith.muli %arg1, %mul3A_361 : i32
      "tpu.region"() ({
        %run_scoped3A = tpu.sem_alloc : memref<!tpu.dma_semaphore, #tpu.memory_space<semaphore_mem>>
        %dma_start3A_363 = arith.constant 0 : i32
        %dma_start3A_364 = tpu.memref_slice %arg8[%mul3A_362, %dma_start3A_363] : memref<64x128xf32, #tpu.memory_space<vmem_shared>> -> memref<8x128xf32, #tpu.memory_space<vmem_shared>>
        %dma_start3A_365 = arith.constant 0 : i32
        %dma_start3A_366 = tpu.memref_slice %arg8[%mul3A_362, %dma_start3A_365] : memref<64x128xf32, #tpu.memory_space<vmem_shared>> -> memref<8x128xf32, #tpu.memory_space<vmem_shared>>
        tpu.enqueue_dma source(%arg7 : memref<8x128xf32, #tpu.memory_space<vmem>>) target(%dma_start3A_366 : memref<8x128xf32, #tpu.memory_space<vmem_shared>>) target_semaphore(%run_scoped3A : memref<!tpu.dma_semaphore, #tpu.memory_space<semaphore_mem>>)
        %dma_wait3A_367 = arith.constant 0 : i32
        %dma_wait3A_368 = tpu.memref_slice %arg8[%mul3A_362, %dma_wait3A_367] : memref<64x128xf32, #tpu.memory_space<vmem_shared>> -> memref<8x128xf32, #tpu.memory_space<vmem_shared>>
        %dma_wait3A_369 = arith.constant 0 : i32
        %dma_wait3A_370 = tpu.memref_slice %arg8[%mul3A_362, %dma_wait3A_369] : memref<64x128xf32, #tpu.memory_space<vmem_shared>> -> memref<8x128xf32, #tpu.memory_space<vmem_shared>>
        tpu.wait_dma2 semaphore(%run_scoped3A : memref<!tpu.dma_semaphore, #tpu.memory_space<semaphore_mem>>) src(%arg7 : memref<8x128xf32, #tpu.memory_space<vmem>>) dst(%dma_wait3A_370 : memref<8x128xf32, #tpu.memory_space<vmem_shared>>)
        tpu.yield
      }) : () -> ()
    } else {
    }
    %barrier3A = arith.constant 0 : index
    tpu.barrier barrier_id(%barrier3A)
    %add3A_35 = arith.constant 0 : i32
    %add3A_36 = arith.addi %mul3A_2, %add3A_35 : i32
    %dma_wait3A = arith.constant 0 : i32
    %dma_wait3A_37 = arith.constant 0 : i32
    %dma_wait3A_38 = arith.constant 0 : i32
    %dma_wait3A_39 = tpu.memref_slice %arg5[%dma_wait3A, %dma_wait3A_37, %dma_wait3A_38] : memref<8x40x128xf32, #tpu.memory_space<vmem>> -> memref<1x40x128xf32, #tpu.memory_space<vmem>>
    %dma_wait3A_40 = tpu.memref_squeeze %dma_wait3A_39 : memref<1x40x128xf32, #tpu.memory_space<vmem>> -> memref<40x128xf32, #tpu.memory_space<vmem>>
    %dma_wait3A_41 = arith.constant 0 : i32
    %dma_wait3A_42 = tpu.memref_slice %arg2[%add3A_36, %dma_wait3A_41] : memref<10000x128xf32, #tpu.memory_space<hbm>> -> memref<40x128xf32, #tpu.memory_space<hbm>>
    %dma_wait3A_43 = arith.constant 0 : i32
    %dma_wait3A_44 = arith.constant 0 : i32
    %dma_wait3A_45 = tpu.memref_slice %arg5[%dma_wait3A, %dma_wait3A_43, %dma_wait3A_44] : memref<8x40x128xf32, #tpu.memory_space<vmem>> -> memref<1x40x128xf32, #tpu.memory_space<vmem>>
    %dma_wait3A_46 = tpu.memref_squeeze %dma_wait3A_45 : memref<1x40x128xf32, #tpu.memory_space<vmem>> -> memref<40x128xf32, #tpu.memory_space<vmem>>
    %dma_wait3A_47 = arith.constant 0 : i32
    %dma_wait3A_48 = tpu.memref_slice %arg2[%add3A_36, %dma_wait3A_47] : memref<10000x128xf32, #tpu.memory_space<hbm>> -> memref<40x128xf32, #tpu.memory_space<hbm>>
    tpu.wait_dma2 semaphore(%arg9 : memref<!tpu.dma_semaphore, #tpu.memory_space<semaphore_mem>>) src(%dma_wait3A_48 : memref<40x128xf32, #tpu.memory_space<hbm>>) dst(%dma_wait3A_46 : memref<40x128xf32, #tpu.memory_space<vmem>>)
    %add3A_49 = arith.constant 0 : i32
    %add3A_50 = arith.addi %mul3A_2, %add3A_49 : i32
    %dma_wait3A_51 = arith.constant 0 : i32
    %dma_wait3A_52 = arith.constant 0 : i32
    %dma_wait3A_53 = tpu.memref_slice %arg6[%dma_wait3A_51, %dma_wait3A_52] : memref<8x40xi32, #tpu.memory_space<vmem>> -> memref<1x40xi32, #tpu.memory_space<vmem>>
    %dma_wait3A_54 = tpu.memref_squeeze %dma_wait3A_53 : memref<1x40xi32, #tpu.memory_space<vmem>> -> memref<40xi32, #tpu.memory_space<vmem>>
    %dma_wait3A_55 = tpu.memref_slice %arg3[%add3A_50] : memref<10000xi32, #tpu.memory_space<hbm>> -> memref<40xi32, #tpu.memory_space<hbm>>
    %dma_wait3A_56 = arith.constant 0 : i32
    %dma_wait3A_57 = tpu.memref_slice %arg6[%dma_wait3A_51, %dma_wait3A_56] : memref<8x40xi32, #tpu.memory_space<vmem>> -> memref<1x40xi32, #tpu.memory_space<vmem>>
    %dma_wait3A_58 = tpu.memref_squeeze %dma_wait3A_57 : memref<1x40xi32, #tpu.memory_space<vmem>> -> memref<40xi32, #tpu.memory_space<vmem>>
    %dma_wait3A_59 = tpu.memref_slice %arg3[%add3A_50] : memref<10000xi32, #tpu.memory_space<hbm>> -> memref<40xi32, #tpu.memory_space<hbm>>
    tpu.wait_dma2 semaphore(%arg11 : memref<!tpu.dma_semaphore, #tpu.memory_space<semaphore_mem>>) src(%dma_wait3A_59 : memref<40xi32, #tpu.memory_space<hbm>>) dst(%dma_wait3A_58 : memref<40xi32, #tpu.memory_space<vmem>>)
    %dma_start3A_60 = arith.constant 0 : i32
    %dma_start3A_61 = arith.constant 0 : i32
    %dma_start3A_62 = arith.constant 0 : i32
    %dma_start3A_63 = arith.constant 0 : i32
    %dma_start3A_64 = tpu.memref_slice %arg5[%dma_start3A_60, %dma_start3A_62, %dma_start3A_63] : memref<8x40x128xf32, #tpu.memory_space<vmem>> -> memref<1x40x128xf32, #tpu.memory_space<vmem>>
    %dma_start3A_65 = tpu.memref_squeeze %dma_start3A_64 : memref<1x40x128xf32, #tpu.memory_space<vmem>> -> memref<40x128xf32, #tpu.memory_space<vmem>>
    %dma_start3A_66 = arith.constant 0 : i32
    %dma_start3A_67 = tpu.memref_slice %arg6[%dma_start3A_61, %dma_start3A_66] : memref<8x40xi32, #tpu.memory_space<vmem>> -> memref<1x40xi32, #tpu.memory_space<vmem>>
    %dma_start3A_68 = tpu.memref_squeeze %dma_start3A_67 : memref<1x40xi32, #tpu.memory_space<vmem>> -> memref<40xi32, #tpu.memory_space<vmem>>
    %dma_start3A_69 = arith.constant 0 : i32
    %dma_start3A_70 = arith.constant 0 : i32
    %dma_start3A_71 = tpu.memref_slice %arg8[%dma_start3A_69, %dma_start3A_70] : memref<64x128xf32, #tpu.memory_space<vmem_shared>> -> memref<64x128xf32, #tpu.memory_space<vmem_shared>>
    tpu.enqueue_indirect_dma source(%dma_start3A_65 : memref<40x128xf32, #tpu.memory_space<vmem>>) target(%dma_start3A_71 : memref<64x128xf32, #tpu.memory_space<vmem_shared>>) offsets(%dma_start3A_68 : memref<40xi32, #tpu.memory_space<vmem>>) semaphore(%arg10 : memref<!tpu.dma_semaphore, #tpu.memory_space<semaphore_mem>>) {add = true}
    %not3A_72 = arith.constant true
    %not3A_73 = arith.xori %eq3A_3, %not3A_72 : i1
    %convert_element_type3A_74 = arith.extui %not3A_73 : i1 to i32
    %cond3A_75 = arith.constant 0 : i32
    %cond3A_76 = arith.cmpi ne, %convert_element_type3A_74, %cond3A_75 : i32
    scf.if %cond3A_76 {
      %add3A_106 = arith.constant 40 : i32
      %add3A_107 = arith.addi %mul3A_2, %add3A_106 : i32
      %dma_wait3A_108 = arith.constant 1 : i32
      %dma_wait3A_109 = arith.constant 0 : i32
      %dma_wait3A_110 = arith.constant 0 : i32
      %dma_wait3A_111 = tpu.memref_slice %arg5[%dma_wait3A_108, %dma_wait3A_109, %dma_wait3A_110] : memref<8x40x128xf32, #tpu.memory_space<vmem>> -> memref<1x40x128xf32, #tpu.memory_space<vmem>>
      %dma_wait3A_112 = tpu.memref_squeeze %dma_wait3A_111 : memref<1x40x128xf32, #tpu.memory_space<vmem>> -> memref<40x128xf32, #tpu.memory_space<vmem>>
      %dma_wait3A_113 = arith.constant 0 : i32
      %dma_wait3A_114 = tpu.memref_slice %arg2[%add3A_107, %dma_wait3A_113] : memref<10000x128xf32, #tpu.memory_space<hbm>> -> memref<40x128xf32, #tpu.memory_space<hbm>>
      %dma_wait3A_115 = arith.constant 0 : i32
      %dma_wait3A_116 = arith.constant 0 : i32
      %dma_wait3A_117 = tpu.memref_slice %arg5[%dma_wait3A_108, %dma_wait3A_115, %dma_wait3A_116] : memref<8x40x128xf32, #tpu.memory_space<vmem>> -> memref<1x40x128xf32, #tpu.memory_space<vmem>>
      %dma_wait3A_118 = tpu.memref_squeeze %dma_wait3A_117 : memref<1x40x128xf32, #tpu.memory_space<vmem>> -> memref<40x128xf32, #tpu.memory_space<vmem>>
      %dma_wait3A_119 = arith.constant 0 : i32
      %dma_wait3A_120 = tpu.memref_slice %arg2[%add3A_107, %dma_wait3A_119] : memref<10000x128xf32, #tpu.memory_space<hbm>> -> memref<40x128xf32, #tpu.memory_space<hbm>>
      tpu.wait_dma2 semaphore(%arg9 : memref<!tpu.dma_semaphore, #tpu.memory_space<semaphore_mem>>) src(%dma_wait3A_120 : memref<40x128xf32, #tpu.memory_space<hbm>>) dst(%dma_wait3A_118 : memref<40x128xf32, #tpu.memory_space<vmem>>)
      %add3A_121 = arith.constant 40 : i32
      %add3A_122 = arith.addi %mul3A_2, %add3A_121 : i32
      %dma_wait3A_123 = arith.constant 1 : i32
      %dma_wait3A_124 = arith.constant 0 : i32
      %dma_wait3A_125 = tpu.memref_slice %arg6[%dma_wait3A_123, %dma_wait3A_124] : memref<8x40xi32, #tpu.memory_space<vmem>> -> memref<1x40xi32, #tpu.memory_space<vmem>>
      %dma_wait3A_126 = tpu.memref_squeeze %dma_wait3A_125 : memref<1x40xi32, #tpu.memory_space<vmem>> -> memref<40xi32, #tpu.memory_space<vmem>>
      %dma_wait3A_127 = tpu.memref_slice %arg3[%add3A_122] : memref<10000xi32, #tpu.memory_space<hbm>> -> memref<40xi32, #tpu.memory_space<hbm>>
      %dma_wait3A_128 = arith.constant 0 : i32
      %dma_wait3A_129 = tpu.memref_slice %arg6[%dma_wait3A_123, %dma_wait3A_128] : memref<8x40xi32, #tpu.memory_space<vmem>> -> memref<1x40xi32, #tpu.memory_space<vmem>>
      %dma_wait3A_130 = tpu.memref_squeeze %dma_wait3A_129 : memref<1x40xi32, #tpu.memory_space<vmem>> -> memref<40xi32, #tpu.memory_space<vmem>>
      %dma_wait3A_131 = tpu.memref_slice %arg3[%add3A_122] : memref<10000xi32, #tpu.memory_space<hbm>> -> memref<40xi32, #tpu.memory_space<hbm>>
      tpu.wait_dma2 semaphore(%arg11 : memref<!tpu.dma_semaphore, #tpu.memory_space<semaphore_mem>>) src(%dma_wait3A_131 : memref<40xi32, #tpu.memory_space<hbm>>) dst(%dma_wait3A_130 : memref<40xi32, #tpu.memory_space<vmem>>)
      %dma_start3A_132 = arith.constant 1 : i32
      %dma_start3A_133 = arith.constant 1 : i32
      %dma_start3A_134 = arith.constant 0 : i32
      %dma_start3A_135 = arith.constant 0 : i32
      %dma_start3A_136 = tpu.memref_slice %arg5[%dma_start3A_132, %dma_start3A_134, %dma_start3A_135] : memref<8x40x128xf32, #tpu.memory_space<vmem>> -> memref<1x40x128xf32, #tpu.memory_space<vmem>>
      %dma_start3A_137 = tpu.memref_squeeze %dma_start3A_136 : memref<1x40x128xf32, #tpu.memory_space<vmem>> -> memref<40x128xf32, #tpu.memory_space<vmem>>
      %dma_start3A_138 = arith.constant 0 : i32
      %dma_start3A_139 = tpu.memref_slice %arg6[%dma_start3A_133, %dma_start3A_138] : memref<8x40xi32, #tpu.memory_space<vmem>> -> memref<1x40xi32, #tpu.memory_space<vmem>>
      %dma_start3A_140 = tpu.memref_squeeze %dma_start3A_139 : memref<1x40xi32, #tpu.memory_space<vmem>> -> memref<40xi32, #tpu.memory_space<vmem>>
      %dma_start3A_141 = arith.constant 0 : i32
      %dma_start3A_142 = arith.constant 0 : i32
      %dma_start3A_143 = tpu.memref_slice %arg8[%dma_start3A_141, %dma_start3A_142] : memref<64x128xf32, #tpu.memory_space<vmem_shared>> -> memref<64x128xf32, #tpu.memory_space<vmem_shared>>
      tpu.enqueue_indirect_dma source(%dma_start3A_137 : memref<40x128xf32, #tpu.memory_space<vmem>>) target(%dma_start3A_143 : memref<64x128xf32, #tpu.memory_space<vmem_shared>>) offsets(%dma_start3A_140 : memref<40xi32, #tpu.memory_space<vmem>>) semaphore(%arg10 : memref<!tpu.dma_semaphore, #tpu.memory_space<semaphore_mem>>) {add = true}
      %add3A_144 = arith.constant 80 : i32
      %add3A_145 = arith.addi %mul3A_2, %add3A_144 : i32
      %dma_wait3A_146 = arith.constant 2 : i32
      %dma_wait3A_147 = arith.constant 0 : i32
      %dma_wait3A_148 = arith.constant 0 : i32
      %dma_wait3A_149 = tpu.memref_slice %arg5[%dma_wait3A_146, %dma_wait3A_147, %dma_wait3A_148] : memref<8x40x128xf32, #tpu.memory_space<vmem>> -> memref<1x40x128xf32, #tpu.memory_space<vmem>>
      %dma_wait3A_150 = tpu.memref_squeeze %dma_wait3A_149 : memref<1x40x128xf32, #tpu.memory_space<vmem>> -> memref<40x128xf32, #tpu.memory_space<vmem>>
      %dma_wait3A_151 = arith.constant 0 : i32
      %dma_wait3A_152 = tpu.memref_slice %arg2[%add3A_145, %dma_wait3A_151] : memref<10000x128xf32, #tpu.memory_space<hbm>> -> memref<40x128xf32, #tpu.memory_space<hbm>>
      %dma_wait3A_153 = arith.constant 0 : i32
      %dma_wait3A_154 = arith.constant 0 : i32
      %dma_wait3A_155 = tpu.memref_slice %arg5[%dma_wait3A_146, %dma_wait3A_153, %dma_wait3A_154] : memref<8x40x128xf32, #tpu.memory_space<vmem>> -> memref<1x40x128xf32, #tpu.memory_space<vmem>>
      %dma_wait3A_156 = tpu.memref_squeeze %dma_wait3A_155 : memref<1x40x128xf32, #tpu.memory_space<vmem>> -> memref<40x128xf32, #tpu.memory_space<vmem>>
      %dma_wait3A_157 = arith.constant 0 : i32
      %dma_wait3A_158 = tpu.memref_slice %arg2[%add3A_145, %dma_wait3A_157] : memref<10000x128xf32, #tpu.memory_space<hbm>> -> memref<40x128xf32, #tpu.memory_space<hbm>>
      tpu.wait_dma2 semaphore(%arg9 : memref<!tpu.dma_semaphore, #tpu.memory_space<semaphore_mem>>) src(%dma_wait3A_158 : memref<40x128xf32, #tpu.memory_space<hbm>>) dst(%dma_wait3A_156 : memref<40x128xf32, #tpu.memory_space<vmem>>)
      %add3A_159 = arith.constant 80 : i32
      %add3A_160 = arith.addi %mul3A_2, %add3A_159 : i32
      %dma_wait3A_161 = arith.constant 2 : i32
      %dma_wait3A_162 = arith.constant 0 : i32
      %dma_wait3A_163 = tpu.memref_slice %arg6[%dma_wait3A_161, %dma_wait3A_162] : memref<8x40xi32, #tpu.memory_space<vmem>> -> memref<1x40xi32, #tpu.memory_space<vmem>>
      %dma_wait3A_164 = tpu.memref_squeeze %dma_wait3A_163 : memref<1x40xi32, #tpu.memory_space<vmem>> -> memref<40xi32, #tpu.memory_space<vmem>>
      %dma_wait3A_165 = tpu.memref_slice %arg3[%add3A_160] : memref<10000xi32, #tpu.memory_space<hbm>> -> memref<40xi32, #tpu.memory_space<hbm>>
      %dma_wait3A_166 = arith.constant 0 : i32
      %dma_wait3A_167 = tpu.memref_slice %arg6[%dma_wait3A_161, %dma_wait3A_166] : memref<8x40xi32, #tpu.memory_space<vmem>> -> memref<1x40xi32, #tpu.memory_space<vmem>>
      %dma_wait3A_168 = tpu.memref_squeeze %dma_wait3A_167 : memref<1x40xi32, #tpu.memory_space<vmem>> -> memref<40xi32, #tpu.memory_space<vmem>>
      %dma_wait3A_169 = tpu.memref_slice %arg3[%add3A_160] : memref<10000xi32, #tpu.memory_space<hbm>> -> memref<40xi32, #tpu.memory_space<hbm>>
      tpu.wait_dma2 semaphore(%arg11 : memref<!tpu.dma_semaphore, #tpu.memory_space<semaphore_mem>>) src(%dma_wait3A_169 : memref<40xi32, #tpu.memory_space<hbm>>) dst(%dma_wait3A_168 : memref<40xi32, #tpu.memory_space<vmem>>)
      %dma_start3A_170 = arith.constant 2 : i32
      %dma_start3A_171 = arith.constant 2 : i32
      %dma_start3A_172 = arith.constant 0 : i32
      %dma_start3A_173 = arith.constant 0 : i32
      %dma_start3A_174 = tpu.memref_slice %arg5[%dma_start3A_170, %dma_start3A_172, %dma_start3A_173] : memref<8x40x128xf32, #tpu.memory_space<vmem>> -> memref<1x40x128xf32, #tpu.memory_space<vmem>>
      %dma_start3A_175 = tpu.memref_squeeze %dma_start3A_174 : memref<1x40x128xf32, #tpu.memory_space<vmem>> -> memref<40x128xf32, #tpu.memory_space<vmem>>
      %dma_start3A_176 = arith.constant 0 : i32
      %dma_start3A_177 = tpu.memref_slice %arg6[%dma_start3A_171, %dma_start3A_176] : memref<8x40xi32, #tpu.memory_space<vmem>> -> memref<1x40xi32, #tpu.memory_space<vmem>>
      %dma_start3A_178 = tpu.memref_squeeze %dma_start3A_177 : memref<1x40xi32, #tpu.memory_space<vmem>> -> memref<40xi32, #tpu.memory_space<vmem>>
      %dma_start3A_179 = arith.constant 0 : i32
      %dma_start3A_180 = arith.constant 0 : i32
      %dma_start3A_181 = tpu.memref_slice %arg8[%dma_start3A_179, %dma_start3A_180] : memref<64x128xf32, #tpu.memory_space<vmem_shared>> -> memref<64x128xf32, #tpu.memory_space<vmem_shared>>
      tpu.enqueue_indirect_dma source(%dma_start3A_175 : memref<40x128xf32, #tpu.memory_space<vmem>>) target(%dma_start3A_181 : memref<64x128xf32, #tpu.memory_space<vmem_shared>>) offsets(%dma_start3A_178 : memref<40xi32, #tpu.memory_space<vmem>>) semaphore(%arg10 : memref<!tpu.dma_semaphore, #tpu.memory_space<semaphore_mem>>) {add = true}
      %add3A_182 = arith.constant 120 : i32
      %add3A_183 = arith.addi %mul3A_2, %add3A_182 : i32
      %dma_wait3A_184 = arith.constant 3 : i32
      %dma_wait3A_185 = arith.constant 0 : i32
      %dma_wait3A_186 = arith.constant 0 : i32
      %dma_wait3A_187 = tpu.memref_slice %arg5[%dma_wait3A_184, %dma_wait3A_185, %dma_wait3A_186] : memref<8x40x128xf32, #tpu.memory_space<vmem>> -> memref<1x40x128xf32, #tpu.memory_space<vmem>>
      %dma_wait3A_188 = tpu.memref_squeeze %dma_wait3A_187 : memref<1x40x128xf32, #tpu.memory_space<vmem>> -> memref<40x128xf32, #tpu.memory_space<vmem>>
      %dma_wait3A_189 = arith.constant 0 : i32
      %dma_wait3A_190 = tpu.memref_slice %arg2[%add3A_183, %dma_wait3A_189] : memref<10000x128xf32, #tpu.memory_space<hbm>> -> memref<40x128xf32, #tpu.memory_space<hbm>>
      %dma_wait3A_191 = arith.constant 0 : i32
      %dma_wait3A_192 = arith.constant 0 : i32
      %dma_wait3A_193 = tpu.memref_slice %arg5[%dma_wait3A_184, %dma_wait3A_191, %dma_wait3A_192] : memref<8x40x128xf32, #tpu.memory_space<vmem>> -> memref<1x40x128xf32, #tpu.memory_space<vmem>>
      %dma_wait3A_194 = tpu.memref_squeeze %dma_wait3A_193 : memref<1x40x128xf32, #tpu.memory_space<vmem>> -> memref<40x128xf32, #tpu.memory_space<vmem>>
      %dma_wait3A_195 = arith.constant 0 : i32
      %dma_wait3A_196 = tpu.memref_slice %arg2[%add3A_183, %dma_wait3A_195] : memref<10000x128xf32, #tpu.memory_space<hbm>> -> memref<40x128xf32, #tpu.memory_space<hbm>>
      tpu.wait_dma2 semaphore(%arg9 : memref<!tpu.dma_semaphore, #tpu.memory_space<semaphore_mem>>) src(%dma_wait3A_196 : memref<40x128xf32, #tpu.memory_space<hbm>>) dst(%dma_wait3A_194 : memref<40x128xf32, #tpu.memory_space<vmem>>)
      %add3A_197 = arith.constant 120 : i32
      %add3A_198 = arith.addi %mul3A_2, %add3A_197 : i32
      %dma_wait3A_199 = arith.constant 3 : i32
      %dma_wait3A_200 = arith.constant 0 : i32
      %dma_wait3A_201 = tpu.memref_slice %arg6[%dma_wait3A_199, %dma_wait3A_200] : memref<8x40xi32, #tpu.memory_space<vmem>> -> memref<1x40xi32, #tpu.memory_space<vmem>>
      %dma_wait3A_202 = tpu.memref_squeeze %dma_wait3A_201 : memref<1x40xi32, #tpu.memory_space<vmem>> -> memref<40xi32, #tpu.memory_space<vmem>>
      %dma_wait3A_203 = tpu.memref_slice %arg3[%add3A_198] : memref<10000xi32, #tpu.memory_space<hbm>> -> memref<40xi32, #tpu.memory_space<hbm>>
      %dma_wait3A_204 = arith.constant 0 : i32
      %dma_wait3A_205 = tpu.memref_slice %arg6[%dma_wait3A_199, %dma_wait3A_204] : memref<8x40xi32, #tpu.memory_space<vmem>> -> memref<1x40xi32, #tpu.memory_space<vmem>>
      %dma_wait3A_206 = tpu.memref_squeeze %dma_wait3A_205 : memref<1x40xi32, #tpu.memory_space<vmem>> -> memref<40xi32, #tpu.memory_space<vmem>>
      %dma_wait3A_207 = tpu.memref_slice %arg3[%add3A_198] : memref<10000xi32, #tpu.memory_space<hbm>> -> memref<40xi32, #tpu.memory_space<hbm>>
      tpu.wait_dma2 semaphore(%arg11 : memref<!tpu.dma_semaphore, #tpu.memory_space<semaphore_mem>>) src(%dma_wait3A_207 : memref<40xi32, #tpu.memory_space<hbm>>) dst(%dma_wait3A_206 : memref<40xi32, #tpu.memory_space<vmem>>)
      %dma_start3A_208 = arith.constant 3 : i32
      %dma_start3A_209 = arith.constant 3 : i32
      %dma_start3A_210 = arith.constant 0 : i32
      %dma_start3A_211 = arith.constant 0 : i32
      %dma_start3A_212 = tpu.memref_slice %arg5[%dma_start3A_208, %dma_start3A_210, %dma_start3A_211] : memref<8x40x128xf32, #tpu.memory_space<vmem>> -> memref<1x40x128xf32, #tpu.memory_space<vmem>>
      %dma_start3A_213 = tpu.memref_squeeze %dma_start3A_212 : memref<1x40x128xf32, #tpu.memory_space<vmem>> -> memref<40x128xf32, #tpu.memory_space<vmem>>
      %dma_start3A_214 = arith.constant 0 : i32
      %dma_start3A_215 = tpu.memref_slice %arg6[%dma_start3A_209, %dma_start3A_214] : memref<8x40xi32, #tpu.memory_space<vmem>> -> memref<1x40xi32, #tpu.memory_space<vmem>>
      %dma_start3A_216 = tpu.memref_squeeze %dma_start3A_215 : memref<1x40xi32, #tpu.memory_space<vmem>> -> memref<40xi32, #tpu.memory_space<vmem>>
      %dma_start3A_217 = arith.constant 0 : i32
      %dma_start3A_218 = arith.constant 0 : i32
      %dma_start3A_219 = tpu.memref_slice %arg8[%dma_start3A_217, %dma_start3A_218] : memref<64x128xf32, #tpu.memory_space<vmem_shared>> -> memref<64x128xf32, #tpu.memory_space<vmem_shared>>
      tpu.enqueue_indirect_dma source(%dma_start3A_213 : memref<40x128xf32, #tpu.memory_space<vmem>>) target(%dma_start3A_219 : memref<64x128xf32, #tpu.memory_space<vmem_shared>>) offsets(%dma_start3A_216 : memref<40xi32, #tpu.memory_space<vmem>>) semaphore(%arg10 : memref<!tpu.dma_semaphore, #tpu.memory_space<semaphore_mem>>) {add = true}
      %add3A_220 = arith.constant 160 : i32
      %add3A_221 = arith.addi %mul3A_2, %add3A_220 : i32
      %dma_wait3A_222 = arith.constant 4 : i32
      %dma_wait3A_223 = arith.constant 0 : i32
      %dma_wait3A_224 = arith.constant 0 : i32
      %dma_wait3A_225 = tpu.memref_slice %arg5[%dma_wait3A_222, %dma_wait3A_223, %dma_wait3A_224] : memref<8x40x128xf32, #tpu.memory_space<vmem>> -> memref<1x40x128xf32, #tpu.memory_space<vmem>>
      %dma_wait3A_226 = tpu.memref_squeeze %dma_wait3A_225 : memref<1x40x128xf32, #tpu.memory_space<vmem>> -> memref<40x128xf32, #tpu.memory_space<vmem>>
      %dma_wait3A_227 = arith.constant 0 : i32
      %dma_wait3A_228 = tpu.memref_slice %arg2[%add3A_221, %dma_wait3A_227] : memref<10000x128xf32, #tpu.memory_space<hbm>> -> memref<40x128xf32, #tpu.memory_space<hbm>>
      %dma_wait3A_229 = arith.constant 0 : i32
      %dma_wait3A_230 = arith.constant 0 : i32
      %dma_wait3A_231 = tpu.memref_slice %arg5[%dma_wait3A_222, %dma_wait3A_229, %dma_wait3A_230] : memref<8x40x128xf32, #tpu.memory_space<vmem>> -> memref<1x40x128xf32, #tpu.memory_space<vmem>>
      %dma_wait3A_232 = tpu.memref_squeeze %dma_wait3A_231 : memref<1x40x128xf32, #tpu.memory_space<vmem>> -> memref<40x128xf32, #tpu.memory_space<vmem>>
      %dma_wait3A_233 = arith.constant 0 : i32
      %dma_wait3A_234 = tpu.memref_slice %arg2[%add3A_221, %dma_wait3A_233] : memref<10000x128xf32, #tpu.memory_space<hbm>> -> memref<40x128xf32, #tpu.memory_space<hbm>>
      tpu.wait_dma2 semaphore(%arg9 : memref<!tpu.dma_semaphore, #tpu.memory_space<semaphore_mem>>) src(%dma_wait3A_234 : memref<40x128xf32, #tpu.memory_space<hbm>>) dst(%dma_wait3A_232 : memref<40x128xf32, #tpu.memory_space<vmem>>)
      %add3A_235 = arith.constant 160 : i32
      %add3A_236 = arith.addi %mul3A_2, %add3A_235 : i32
      %dma_wait3A_237 = arith.constant 4 : i32
      %dma_wait3A_238 = arith.constant 0 : i32
      %dma_wait3A_239 = tpu.memref_slice %arg6[%dma_wait3A_237, %dma_wait3A_238] : memref<8x40xi32, #tpu.memory_space<vmem>> -> memref<1x40xi32, #tpu.memory_space<vmem>>
      %dma_wait3A_240 = tpu.memref_squeeze %dma_wait3A_239 : memref<1x40xi32, #tpu.memory_space<vmem>> -> memref<40xi32, #tpu.memory_space<vmem>>
      %dma_wait3A_241 = tpu.memref_slice %arg3[%add3A_236] : memref<10000xi32, #tpu.memory_space<hbm>> -> memref<40xi32, #tpu.memory_space<hbm>>
      %dma_wait3A_242 = arith.constant 0 : i32
      %dma_wait3A_243 = tpu.memref_slice %arg6[%dma_wait3A_237, %dma_wait3A_242] : memref<8x40xi32, #tpu.memory_space<vmem>> -> memref<1x40xi32, #tpu.memory_space<vmem>>
      %dma_wait3A_244 = tpu.memref_squeeze %dma_wait3A_243 : memref<1x40xi32, #tpu.memory_space<vmem>> -> memref<40xi32, #tpu.memory_space<vmem>>
      %dma_wait3A_245 = tpu.memref_slice %arg3[%add3A_236] : memref<10000xi32, #tpu.memory_space<hbm>> -> memref<40xi32, #tpu.memory_space<hbm>>
      tpu.wait_dma2 semaphore(%arg11 : memref<!tpu.dma_semaphore, #tpu.memory_space<semaphore_mem>>) src(%dma_wait3A_245 : memref<40xi32, #tpu.memory_space<hbm>>) dst(%dma_wait3A_244 : memref<40xi32, #tpu.memory_space<vmem>>)
      %dma_start3A_246 = arith.constant 4 : i32
      %dma_start3A_247 = arith.constant 4 : i32
      %dma_start3A_248 = arith.constant 0 : i32
      %dma_start3A_249 = arith.constant 0 : i32
      %dma_start3A_250 = tpu.memref_slice %arg5[%dma_start3A_246, %dma_start3A_248, %dma_start3A_249] : memref<8x40x128xf32, #tpu.memory_space<vmem>> -> memref<1x40x128xf32, #tpu.memory_space<vmem>>
      %dma_start3A_251 = tpu.memref_squeeze %dma_start3A_250 : memref<1x40x128xf32, #tpu.memory_space<vmem>> -> memref<40x128xf32, #tpu.memory_space<vmem>>
      %dma_start3A_252 = arith.constant 0 : i32
      %dma_start3A_253 = tpu.memref_slice %arg6[%dma_start3A_247, %dma_start3A_252] : memref<8x40xi32, #tpu.memory_space<vmem>> -> memref<1x40xi32, #tpu.memory_space<vmem>>
      %dma_start3A_254 = tpu.memref_squeeze %dma_start3A_253 : memref<1x40xi32, #tpu.memory_space<vmem>> -> memref<40xi32, #tpu.memory_space<vmem>>
      %dma_start3A_255 = arith.constant 0 : i32
      %dma_start3A_256 = arith.constant 0 : i32
      %dma_start3A_257 = tpu.memref_slice %arg8[%dma_start3A_255, %dma_start3A_256] : memref<64x128xf32, #tpu.memory_space<vmem_shared>> -> memref<64x128xf32, #tpu.memory_space<vmem_shared>>
      tpu.enqueue_indirect_dma source(%dma_start3A_251 : memref<40x128xf32, #tpu.memory_space<vmem>>) target(%dma_start3A_257 : memref<64x128xf32, #tpu.memory_space<vmem_shared>>) offsets(%dma_start3A_254 : memref<40xi32, #tpu.memory_space<vmem>>) semaphore(%arg10 : memref<!tpu.dma_semaphore, #tpu.memory_space<semaphore_mem>>) {add = true}
      %add3A_258 = arith.constant 200 : i32
      %add3A_259 = arith.addi %mul3A_2, %add3A_258 : i32
      %dma_wait3A_260 = arith.constant 5 : i32
      %dma_wait3A_261 = arith.constant 0 : i32
      %dma_wait3A_262 = arith.constant 0 : i32
      %dma_wait3A_263 = tpu.memref_slice %arg5[%dma_wait3A_260, %dma_wait3A_261, %dma_wait3A_262] : memref<8x40x128xf32, #tpu.memory_space<vmem>> -> memref<1x40x128xf32, #tpu.memory_space<vmem>>
      %dma_wait3A_264 = tpu.memref_squeeze %dma_wait3A_263 : memref<1x40x128xf32, #tpu.memory_space<vmem>> -> memref<40x128xf32, #tpu.memory_space<vmem>>
      %dma_wait3A_265 = arith.constant 0 : i32
      %dma_wait3A_266 = tpu.memref_slice %arg2[%add3A_259, %dma_wait3A_265] : memref<10000x128xf32, #tpu.memory_space<hbm>> -> memref<40x128xf32, #tpu.memory_space<hbm>>
      %dma_wait3A_267 = arith.constant 0 : i32
      %dma_wait3A_268 = arith.constant 0 : i32
      %dma_wait3A_269 = tpu.memref_slice %arg5[%dma_wait3A_260, %dma_wait3A_267, %dma_wait3A_268] : memref<8x40x128xf32, #tpu.memory_space<vmem>> -> memref<1x40x128xf32, #tpu.memory_space<vmem>>
      %dma_wait3A_270 = tpu.memref_squeeze %dma_wait3A_269 : memref<1x40x128xf32, #tpu.memory_space<vmem>> -> memref<40x128xf32, #tpu.memory_space<vmem>>
      %dma_wait3A_271 = arith.constant 0 : i32
      %dma_wait3A_272 = tpu.memref_slice %arg2[%add3A_259, %dma_wait3A_271] : memref<10000x128xf32, #tpu.memory_space<hbm>> -> memref<40x128xf32, #tpu.memory_space<hbm>>
      tpu.wait_dma2 semaphore(%arg9 : memref<!tpu.dma_semaphore, #tpu.memory_space<semaphore_mem>>) src(%dma_wait3A_272 : memref<40x128xf32, #tpu.memory_space<hbm>>) dst(%dma_wait3A_270 : memref<40x128xf32, #tpu.memory_space<vmem>>)
      %add3A_273 = arith.constant 200 : i32
      %add3A_274 = arith.addi %mul3A_2, %add3A_273 : i32
      %dma_wait3A_275 = arith.constant 5 : i32
      %dma_wait3A_276 = arith.constant 0 : i32
      %dma_wait3A_277 = tpu.memref_slice %arg6[%dma_wait3A_275, %dma_wait3A_276] : memref<8x40xi32, #tpu.memory_space<vmem>> -> memref<1x40xi32, #tpu.memory_space<vmem>>
      %dma_wait3A_278 = tpu.memref_squeeze %dma_wait3A_277 : memref<1x40xi32, #tpu.memory_space<vmem>> -> memref<40xi32, #tpu.memory_space<vmem>>
      %dma_wait3A_279 = tpu.memref_slice %arg3[%add3A_274] : memref<10000xi32, #tpu.memory_space<hbm>> -> memref<40xi32, #tpu.memory_space<hbm>>
      %dma_wait3A_280 = arith.constant 0 : i32
      %dma_wait3A_281 = tpu.memref_slice %arg6[%dma_wait3A_275, %dma_wait3A_280] : memref<8x40xi32, #tpu.memory_space<vmem>> -> memref<1x40xi32, #tpu.memory_space<vmem>>
      %dma_wait3A_282 = tpu.memref_squeeze %dma_wait3A_281 : memref<1x40xi32, #tpu.memory_space<vmem>> -> memref<40xi32, #tpu.memory_space<vmem>>
      %dma_wait3A_283 = tpu.memref_slice %arg3[%add3A_274] : memref<10000xi32, #tpu.memory_space<hbm>> -> memref<40xi32, #tpu.memory_space<hbm>>
      tpu.wait_dma2 semaphore(%arg11 : memref<!tpu.dma_semaphore, #tpu.memory_space<semaphore_mem>>) src(%dma_wait3A_283 : memref<40xi32, #tpu.memory_space<hbm>>) dst(%dma_wait3A_282 : memref<40xi32, #tpu.memory_space<vmem>>)
      %dma_start3A_284 = arith.constant 5 : i32
      %dma_start3A_285 = arith.constant 5 : i32
      %dma_start3A_286 = arith.constant 0 : i32
      %dma_start3A_287 = arith.constant 0 : i32
      %dma_start3A_288 = tpu.memref_slice %arg5[%dma_start3A_284, %dma_start3A_286, %dma_start3A_287] : memref<8x40x128xf32, #tpu.memory_space<vmem>> -> memref<1x40x128xf32, #tpu.memory_space<vmem>>
      %dma_start3A_289 = tpu.memref_squeeze %dma_start3A_288 : memref<1x40x128xf32, #tpu.memory_space<vmem>> -> memref<40x128xf32, #tpu.memory_space<vmem>>
      %dma_start3A_290 = arith.constant 0 : i32
      %dma_start3A_291 = tpu.memref_slice %arg6[%dma_start3A_285, %dma_start3A_290] : memref<8x40xi32, #tpu.memory_space<vmem>> -> memref<1x40xi32, #tpu.memory_space<vmem>>
      %dma_start3A_292 = tpu.memref_squeeze %dma_start3A_291 : memref<1x40xi32, #tpu.memory_space<vmem>> -> memref<40xi32, #tpu.memory_space<vmem>>
      %dma_start3A_293 = arith.constant 0 : i32
      %dma_start3A_294 = arith.constant 0 : i32
      %dma_start3A_295 = tpu.memref_slice %arg8[%dma_start3A_293, %dma_start3A_294] : memref<64x128xf32, #tpu.memory_space<vmem_shared>> -> memref<64x128xf32, #tpu.memory_space<vmem_shared>>
      tpu.enqueue_indirect_dma source(%dma_start3A_289 : memref<40x128xf32, #tpu.memory_space<vmem>>) target(%dma_start3A_295 : memref<64x128xf32, #tpu.memory_space<vmem_shared>>) offsets(%dma_start3A_292 : memref<40xi32, #tpu.memory_space<vmem>>) semaphore(%arg10 : memref<!tpu.dma_semaphore, #tpu.memory_space<semaphore_mem>>) {add = true}
      %add3A_296 = arith.constant 240 : i32
      %add3A_297 = arith.addi %mul3A_2, %add3A_296 : i32
      %dma_wait3A_298 = arith.constant 6 : i32
      %dma_wait3A_299 = arith.constant 0 : i32
      %dma_wait3A_300 = arith.constant 0 : i32
      %dma_wait3A_301 = tpu.memref_slice %arg5[%dma_wait3A_298, %dma_wait3A_299, %dma_wait3A_300] : memref<8x40x128xf32, #tpu.memory_space<vmem>> -> memref<1x40x128xf32, #tpu.memory_space<vmem>>
      %dma_wait3A_302 = tpu.memref_squeeze %dma_wait3A_301 : memref<1x40x128xf32, #tpu.memory_space<vmem>> -> memref<40x128xf32, #tpu.memory_space<vmem>>
      %dma_wait3A_303 = arith.constant 0 : i32
      %dma_wait3A_304 = tpu.memref_slice %arg2[%add3A_297, %dma_wait3A_303] : memref<10000x128xf32, #tpu.memory_space<hbm>> -> memref<40x128xf32, #tpu.memory_space<hbm>>
      %dma_wait3A_305 = arith.constant 0 : i32
      %dma_wait3A_306 = arith.constant 0 : i32
      %dma_wait3A_307 = tpu.memref_slice %arg5[%dma_wait3A_298, %dma_wait3A_305, %dma_wait3A_306] : memref<8x40x128xf32, #tpu.memory_space<vmem>> -> memref<1x40x128xf32, #tpu.memory_space<vmem>>
      %dma_wait3A_308 = tpu.memref_squeeze %dma_wait3A_307 : memref<1x40x128xf32, #tpu.memory_space<vmem>> -> memref<40x128xf32, #tpu.memory_space<vmem>>
      %dma_wait3A_309 = arith.constant 0 : i32
      %dma_wait3A_310 = tpu.memref_slice %arg2[%add3A_297, %dma_wait3A_309] : memref<10000x128xf32, #tpu.memory_space<hbm>> -> memref<40x128xf32, #tpu.memory_space<hbm>>
      tpu.wait_dma2 semaphore(%arg9 : memref<!tpu.dma_semaphore, #tpu.memory_space<semaphore_mem>>) src(%dma_wait3A_310 : memref<40x128xf32, #tpu.memory_space<hbm>>) dst(%dma_wait3A_308 : memref<40x128xf32, #tpu.memory_space<vmem>>)
      %add3A_311 = arith.constant 240 : i32
      %add3A_312 = arith.addi %mul3A_2, %add3A_311 : i32
      %dma_wait3A_313 = arith.constant 6 : i32
      %dma_wait3A_314 = arith.constant 0 : i32
      %dma_wait3A_315 = tpu.memref_slice %arg6[%dma_wait3A_313, %dma_wait3A_314] : memref<8x40xi32, #tpu.memory_space<vmem>> -> memref<1x40xi32, #tpu.memory_space<vmem>>
      %dma_wait3A_316 = tpu.memref_squeeze %dma_wait3A_315 : memref<1x40xi32, #tpu.memory_space<vmem>> -> memref<40xi32, #tpu.memory_space<vmem>>
      %dma_wait3A_317 = tpu.memref_slice %arg3[%add3A_312] : memref<10000xi32, #tpu.memory_space<hbm>> -> memref<40xi32, #tpu.memory_space<hbm>>
      %dma_wait3A_318 = arith.constant 0 : i32
      %dma_wait3A_319 = tpu.memref_slice %arg6[%dma_wait3A_313, %dma_wait3A_318] : memref<8x40xi32, #tpu.memory_space<vmem>> -> memref<1x40xi32, #tpu.memory_space<vmem>>
      %dma_wait3A_320 = tpu.memref_squeeze %dma_wait3A_319 : memref<1x40xi32, #tpu.memory_space<vmem>> -> memref<40xi32, #tpu.memory_space<vmem>>
      %dma_wait3A_321 = tpu.memref_slice %arg3[%add3A_312] : memref<10000xi32, #tpu.memory_space<hbm>> -> memref<40xi32, #tpu.memory_space<hbm>>
      tpu.wait_dma2 semaphore(%arg11 : memref<!tpu.dma_semaphore, #tpu.memory_space<semaphore_mem>>) src(%dma_wait3A_321 : memref<40xi32, #tpu.memory_space<hbm>>) dst(%dma_wait3A_320 : memref<40xi32, #tpu.memory_space<vmem>>)
      %dma_start3A_322 = arith.constant 6 : i32
      %dma_start3A_323 = arith.constant 6 : i32
      %dma_start3A_324 = arith.constant 0 : i32
      %dma_start3A_325 = arith.constant 0 : i32
      %dma_start3A_326 = tpu.memref_slice %arg5[%dma_start3A_322, %dma_start3A_324, %dma_start3A_325] : memref<8x40x128xf32, #tpu.memory_space<vmem>> -> memref<1x40x128xf32, #tpu.memory_space<vmem>>
      %dma_start3A_327 = tpu.memref_squeeze %dma_start3A_326 : memref<1x40x128xf32, #tpu.memory_space<vmem>> -> memref<40x128xf32, #tpu.memory_space<vmem>>
      %dma_start3A_328 = arith.constant 0 : i32
      %dma_start3A_329 = tpu.memref_slice %arg6[%dma_start3A_323, %dma_start3A_328] : memref<8x40xi32, #tpu.memory_space<vmem>> -> memref<1x40xi32, #tpu.memory_space<vmem>>
      %dma_start3A_330 = tpu.memref_squeeze %dma_start3A_329 : memref<1x40xi32, #tpu.memory_space<vmem>> -> memref<40xi32, #tpu.memory_space<vmem>>
      %dma_start3A_331 = arith.constant 0 : i32
      %dma_start3A_332 = arith.constant 0 : i32
      %dma_start3A_333 = tpu.memref_slice %arg8[%dma_start3A_331, %dma_start3A_332] : memref<64x128xf32, #tpu.memory_space<vmem_shared>> -> memref<64x128xf32, #tpu.memory_space<vmem_shared>>
      tpu.enqueue_indirect_dma source(%dma_start3A_327 : memref<40x128xf32, #tpu.memory_space<vmem>>) target(%dma_start3A_333 : memref<64x128xf32, #tpu.memory_space<vmem_shared>>) offsets(%dma_start3A_330 : memref<40xi32, #tpu.memory_space<vmem>>) semaphore(%arg10 : memref<!tpu.dma_semaphore, #tpu.memory_space<semaphore_mem>>) {add = true}
      %add3A_334 = arith.constant 280 : i32
      %add3A_335 = arith.addi %mul3A_2, %add3A_334 : i32
      %dma_wait3A_336 = arith.constant 7 : i32
      %dma_wait3A_337 = arith.constant 0 : i32
      %dma_wait3A_338 = arith.constant 0 : i32
      %dma_wait3A_339 = tpu.memref_slice %arg5[%dma_wait3A_336, %dma_wait3A_337, %dma_wait3A_338] : memref<8x40x128xf32, #tpu.memory_space<vmem>> -> memref<1x40x128xf32, #tpu.memory_space<vmem>>
      %dma_wait3A_340 = tpu.memref_squeeze %dma_wait3A_339 : memref<1x40x128xf32, #tpu.memory_space<vmem>> -> memref<40x128xf32, #tpu.memory_space<vmem>>
      %dma_wait3A_341 = arith.constant 0 : i32
      %dma_wait3A_342 = tpu.memref_slice %arg2[%add3A_335, %dma_wait3A_341] : memref<10000x128xf32, #tpu.memory_space<hbm>> -> memref<40x128xf32, #tpu.memory_space<hbm>>
      %dma_wait3A_343 = arith.constant 0 : i32
      %dma_wait3A_344 = arith.constant 0 : i32
      %dma_wait3A_345 = tpu.memref_slice %arg5[%dma_wait3A_336, %dma_wait3A_343, %dma_wait3A_344] : memref<8x40x128xf32, #tpu.memory_space<vmem>> -> memref<1x40x128xf32, #tpu.memory_space<vmem>>
      %dma_wait3A_346 = tpu.memref_squeeze %dma_wait3A_345 : memref<1x40x128xf32, #tpu.memory_space<vmem>> -> memref<40x128xf32, #tpu.memory_space<vmem>>
      %dma_wait3A_347 = arith.constant 0 : i32
      %dma_wait3A_348 = tpu.memref_slice %arg2[%add3A_335, %dma_wait3A_347] : memref<10000x128xf32, #tpu.memory_space<hbm>> -> memref<40x128xf32, #tpu.memory_space<hbm>>
      tpu.wait_dma2 semaphore(%arg9 : memref<!tpu.dma_semaphore, #tpu.memory_space<semaphore_mem>>) src(%dma_wait3A_348 : memref<40x128xf32, #tpu.memory_space<hbm>>) dst(%dma_wait3A_346 : memref<40x128xf32, #tpu.memory_space<vmem>>)
      %add3A_349 = arith.constant 280 : i32
      %add3A_350 = arith.addi %mul3A_2, %add3A_349 : i32
      %dma_wait3A_351 = arith.constant 7 : i32
      %dma_wait3A_352 = arith.constant 0 : i32
      %dma_wait3A_353 = tpu.memref_slice %arg6[%dma_wait3A_351, %dma_wait3A_352] : memref<8x40xi32, #tpu.memory_space<vmem>> -> memref<1x40xi32, #tpu.memory_space<vmem>>
      %dma_wait3A_354 = tpu.memref_squeeze %dma_wait3A_353 : memref<1x40xi32, #tpu.memory_space<vmem>> -> memref<40xi32, #tpu.memory_space<vmem>>
      %dma_wait3A_355 = tpu.memref_slice %arg3[%add3A_350] : memref<10000xi32, #tpu.memory_space<hbm>> -> memref<40xi32, #tpu.memory_space<hbm>>
      %dma_wait3A_356 = arith.constant 0 : i32
      %dma_wait3A_357 = tpu.memref_slice %arg6[%dma_wait3A_351, %dma_wait3A_356] : memref<8x40xi32, #tpu.memory_space<vmem>> -> memref<1x40xi32, #tpu.memory_space<vmem>>
      %dma_wait3A_358 = tpu.memref_squeeze %dma_wait3A_357 : memref<1x40xi32, #tpu.memory_space<vmem>> -> memref<40xi32, #tpu.memory_space<vmem>>
      %dma_wait3A_359 = tpu.memref_slice %arg3[%add3A_350] : memref<10000xi32, #tpu.memory_space<hbm>> -> memref<40xi32, #tpu.memory_space<hbm>>
      tpu.wait_dma2 semaphore(%arg11 : memref<!tpu.dma_semaphore, #tpu.memory_space<semaphore_mem>>) src(%dma_wait3A_359 : memref<40xi32, #tpu.memory_space<hbm>>) dst(%dma_wait3A_358 : memref<40xi32, #tpu.memory_space<vmem>>)
      %dma_start3A_360 = arith.constant 7 : i32
      %dma_start3A_361 = arith.constant 7 : i32
      %dma_start3A_362 = arith.constant 0 : i32
      %dma_start3A_363 = arith.constant 0 : i32
      %dma_start3A_364 = tpu.memref_slice %arg5[%dma_start3A_360, %dma_start3A_362, %dma_start3A_363] : memref<8x40x128xf32, #tpu.memory_space<vmem>> -> memref<1x40x128xf32, #tpu.memory_space<vmem>>
      %dma_start3A_365 = tpu.memref_squeeze %dma_start3A_364 : memref<1x40x128xf32, #tpu.memory_space<vmem>> -> memref<40x128xf32, #tpu.memory_space<vmem>>
      %dma_start3A_366 = arith.constant 0 : i32
      %dma_start3A_367 = tpu.memref_slice %arg6[%dma_start3A_361, %dma_start3A_366] : memref<8x40xi32, #tpu.memory_space<vmem>> -> memref<1x40xi32, #tpu.memory_space<vmem>>
      %dma_start3A_368 = tpu.memref_squeeze %dma_start3A_367 : memref<1x40xi32, #tpu.memory_space<vmem>> -> memref<40xi32, #tpu.memory_space<vmem>>
      %dma_start3A_369 = arith.constant 0 : i32
      %dma_start3A_370 = arith.constant 0 : i32
      %dma_start3A_371 = tpu.memref_slice %arg8[%dma_start3A_369, %dma_start3A_370] : memref<64x128xf32, #tpu.memory_space<vmem_shared>> -> memref<64x128xf32, #tpu.memory_space<vmem_shared>>
      tpu.enqueue_indirect_dma source(%dma_start3A_365 : memref<40x128xf32, #tpu.memory_space<vmem>>) target(%dma_start3A_371 : memref<64x128xf32, #tpu.memory_space<vmem_shared>>) offsets(%dma_start3A_368 : memref<40xi32, #tpu.memory_space<vmem>>) semaphore(%arg10 : memref<!tpu.dma_semaphore, #tpu.memory_space<semaphore_mem>>) {add = true}
    } else {
    }
    %convert_element_type3A_77 = arith.extui %eq3A_3 : i1 to i32
    %cond3A_78 = arith.constant 0 : i32
    %cond3A_79 = arith.cmpi ne, %convert_element_type3A_77, %cond3A_78 : i32
    scf.if %cond3A_79 {
      %add3A_106 = arith.constant 40 : i32
      %add3A_107 = arith.addi %mul3A_2, %add3A_106 : i32
      %dma_wait3A_108 = arith.constant 1 : i32
      %dma_wait3A_109 = arith.constant 0 : i32
      %dma_wait3A_110 = arith.constant 0 : i32
      %dma_wait3A_111 = tpu.memref_slice %arg5[%dma_wait3A_108, %dma_wait3A_109, %dma_wait3A_110] : memref<8x40x128xf32, #tpu.memory_space<vmem>> -> memref<1x40x128xf32, #tpu.memory_space<vmem>>
      %dma_wait3A_112 = tpu.memref_squeeze %dma_wait3A_111 : memref<1x40x128xf32, #tpu.memory_space<vmem>> -> memref<40x128xf32, #tpu.memory_space<vmem>>
      %dma_wait3A_113 = arith.constant 0 : i32
      %dma_wait3A_114 = tpu.memref_slice %arg2[%add3A_107, %dma_wait3A_113] : memref<10000x128xf32, #tpu.memory_space<hbm>> -> memref<40x128xf32, #tpu.memory_space<hbm>>
      %dma_wait3A_115 = arith.constant 0 : i32
      %dma_wait3A_116 = arith.constant 0 : i32
      %dma_wait3A_117 = tpu.memref_slice %arg5[%dma_wait3A_108, %dma_wait3A_115, %dma_wait3A_116] : memref<8x40x128xf32, #tpu.memory_space<vmem>> -> memref<1x40x128xf32, #tpu.memory_space<vmem>>
      %dma_wait3A_118 = tpu.memref_squeeze %dma_wait3A_117 : memref<1x40x128xf32, #tpu.memory_space<vmem>> -> memref<40x128xf32, #tpu.memory_space<vmem>>
      %dma_wait3A_119 = arith.constant 0 : i32
      %dma_wait3A_120 = tpu.memref_slice %arg2[%add3A_107, %dma_wait3A_119] : memref<10000x128xf32, #tpu.memory_space<hbm>> -> memref<40x128xf32, #tpu.memory_space<hbm>>
      tpu.wait_dma2 semaphore(%arg9 : memref<!tpu.dma_semaphore, #tpu.memory_space<semaphore_mem>>) src(%dma_wait3A_120 : memref<40x128xf32, #tpu.memory_space<hbm>>) dst(%dma_wait3A_118 : memref<40x128xf32, #tpu.memory_space<vmem>>)
      %add3A_121 = arith.constant 40 : i32
      %add3A_122 = arith.addi %mul3A_2, %add3A_121 : i32
      %dma_wait3A_123 = arith.constant 1 : i32
      %dma_wait3A_124 = arith.constant 0 : i32
      %dma_wait3A_125 = tpu.memref_slice %arg6[%dma_wait3A_123, %dma_wait3A_124] : memref<8x40xi32, #tpu.memory_space<vmem>> -> memref<1x40xi32, #tpu.memory_space<vmem>>
      %dma_wait3A_126 = tpu.memref_squeeze %dma_wait3A_125 : memref<1x40xi32, #tpu.memory_space<vmem>> -> memref<40xi32, #tpu.memory_space<vmem>>
      %dma_wait3A_127 = tpu.memref_slice %arg3[%add3A_122] : memref<10000xi32, #tpu.memory_space<hbm>> -> memref<40xi32, #tpu.memory_space<hbm>>
      %dma_wait3A_128 = arith.constant 0 : i32
      %dma_wait3A_129 = tpu.memref_slice %arg6[%dma_wait3A_123, %dma_wait3A_128] : memref<8x40xi32, #tpu.memory_space<vmem>> -> memref<1x40xi32, #tpu.memory_space<vmem>>
      %dma_wait3A_130 = tpu.memref_squeeze %dma_wait3A_129 : memref<1x40xi32, #tpu.memory_space<vmem>> -> memref<40xi32, #tpu.memory_space<vmem>>
      %dma_wait3A_131 = tpu.memref_slice %arg3[%add3A_122] : memref<10000xi32, #tpu.memory_space<hbm>> -> memref<40xi32, #tpu.memory_space<hbm>>
      tpu.wait_dma2 semaphore(%arg11 : memref<!tpu.dma_semaphore, #tpu.memory_space<semaphore_mem>>) src(%dma_wait3A_131 : memref<40xi32, #tpu.memory_space<hbm>>) dst(%dma_wait3A_130 : memref<40xi32, #tpu.memory_space<vmem>>)
      %dma_start3A_132 = arith.constant 1 : i32
      %dma_start3A_133 = arith.constant 1 : i32
      %dma_start3A_134 = arith.constant 0 : i32
      %dma_start3A_135 = arith.constant 0 : i32
      %dma_start3A_136 = tpu.memref_slice %arg5[%dma_start3A_132, %dma_start3A_134, %dma_start3A_135] : memref<8x40x128xf32, #tpu.memory_space<vmem>> -> memref<1x40x128xf32, #tpu.memory_space<vmem>>
      %dma_start3A_137 = tpu.memref_squeeze %dma_start3A_136 : memref<1x40x128xf32, #tpu.memory_space<vmem>> -> memref<40x128xf32, #tpu.memory_space<vmem>>
      %dma_start3A_138 = arith.constant 0 : i32
      %dma_start3A_139 = tpu.memref_slice %arg6[%dma_start3A_133, %dma_start3A_138] : memref<8x40xi32, #tpu.memory_space<vmem>> -> memref<1x40xi32, #tpu.memory_space<vmem>>
      %dma_start3A_140 = tpu.memref_squeeze %dma_start3A_139 : memref<1x40xi32, #tpu.memory_space<vmem>> -> memref<40xi32, #tpu.memory_space<vmem>>
      %dma_start3A_141 = arith.constant 0 : i32
      %dma_start3A_142 = arith.constant 0 : i32
      %dma_start3A_143 = tpu.memref_slice %arg8[%dma_start3A_141, %dma_start3A_142] : memref<64x128xf32, #tpu.memory_space<vmem_shared>> -> memref<64x128xf32, #tpu.memory_space<vmem_shared>>
      tpu.enqueue_indirect_dma source(%dma_start3A_137 : memref<40x128xf32, #tpu.memory_space<vmem>>) target(%dma_start3A_143 : memref<64x128xf32, #tpu.memory_space<vmem_shared>>) offsets(%dma_start3A_140 : memref<40xi32, #tpu.memory_space<vmem>>) semaphore(%arg10 : memref<!tpu.dma_semaphore, #tpu.memory_space<semaphore_mem>>) {add = true}
    } else {
    }
    %dma_wait3A_80 = arith.constant 0 : i32
    %dma_wait3A_81 = arith.constant 0 : i32
    %dma_wait3A_82 = arith.constant 0 : i32
    %dma_wait3A_83 = arith.constant 0 : i32
    %dma_wait3A_84 = tpu.memref_slice %arg5[%dma_wait3A_80, %dma_wait3A_82, %dma_wait3A_83] : memref<8x40x128xf32, #tpu.memory_space<vmem>> -> memref<1x40x128xf32, #tpu.memory_space<vmem>>
    %dma_wait3A_85 = tpu.memref_squeeze %dma_wait3A_84 : memref<1x40x128xf32, #tpu.memory_space<vmem>> -> memref<40x128xf32, #tpu.memory_space<vmem>>
    %dma_wait3A_86 = arith.constant 0 : i32
    %dma_wait3A_87 = tpu.memref_slice %arg6[%dma_wait3A_81, %dma_wait3A_86] : memref<8x40xi32, #tpu.memory_space<vmem>> -> memref<1x40xi32, #tpu.memory_space<vmem>>
    %dma_wait3A_88 = tpu.memref_squeeze %dma_wait3A_87 : memref<1x40xi32, #tpu.memory_space<vmem>> -> memref<40xi32, #tpu.memory_space<vmem>>
    %dma_wait3A_89 = arith.constant 0 : i32
    %dma_wait3A_90 = arith.constant 0 : i32
    %dma_wait3A_91 = tpu.memref_slice %arg8[%dma_wait3A_89, %dma_wait3A_90] : memref<64x128xf32, #tpu.memory_space<vmem_shared>> -> memref<64x128xf32, #tpu.memory_space<vmem_shared>>
    tpu.wait_indirect_dma semaphore(%arg10 : memref<!tpu.dma_semaphore, #tpu.memory_space<semaphore_mem>>) src(%dma_wait3A_85 : memref<40x128xf32, #tpu.memory_space<vmem>>) dst(%dma_wait3A_91 : memref<64x128xf32, #tpu.memory_space<vmem_shared>>)
    %not3A_92 = arith.constant true
    %not3A_93 = arith.xori %eq3A_3, %not3A_92 : i1
    %convert_element_type3A_94 = arith.extui %not3A_93 : i1 to i32
    %cond3A_95 = arith.constant 0 : i32
    %cond3A_96 = arith.cmpi ne, %convert_element_type3A_94, %cond3A_95 : i32
    scf.if %cond3A_96 {
      %dma_wait3A_106 = arith.constant 1 : i32
      %dma_wait3A_107 = arith.constant 1 : i32
      %dma_wait3A_108 = arith.constant 0 : i32
      %dma_wait3A_109 = arith.constant 0 : i32
      %dma_wait3A_110 = tpu.memref_slice %arg5[%dma_wait3A_106, %dma_wait3A_108, %dma_wait3A_109] : memref<8x40x128xf32, #tpu.memory_space<vmem>> -> memref<1x40x128xf32, #tpu.memory_space<vmem>>
      %dma_wait3A_111 = tpu.memref_squeeze %dma_wait3A_110 : memref<1x40x128xf32, #tpu.memory_space<vmem>> -> memref<40x128xf32, #tpu.memory_space<vmem>>
      %dma_wait3A_112 = arith.constant 0 : i32
      %dma_wait3A_113 = tpu.memref_slice %arg6[%dma_wait3A_107, %dma_wait3A_112] : memref<8x40xi32, #tpu.memory_space<vmem>> -> memref<1x40xi32, #tpu.memory_space<vmem>>
      %dma_wait3A_114 = tpu.memref_squeeze %dma_wait3A_113 : memref<1x40xi32, #tpu.memory_space<vmem>> -> memref<40xi32, #tpu.memory_space<vmem>>
      %dma_wait3A_115 = arith.constant 0 : i32
      %dma_wait3A_116 = arith.constant 0 : i32
      %dma_wait3A_117 = tpu.memref_slice %arg8[%dma_wait3A_115, %dma_wait3A_116] : memref<64x128xf32, #tpu.memory_space<vmem_shared>> -> memref<64x128xf32, #tpu.memory_space<vmem_shared>>
      tpu.wait_indirect_dma semaphore(%arg10 : memref<!tpu.dma_semaphore, #tpu.memory_space<semaphore_mem>>) src(%dma_wait3A_111 : memref<40x128xf32, #tpu.memory_space<vmem>>) dst(%dma_wait3A_117 : memref<64x128xf32, #tpu.memory_space<vmem_shared>>)
      %dma_wait3A_118 = arith.constant 2 : i32
      %dma_wait3A_119 = arith.constant 2 : i32
      %dma_wait3A_120 = arith.constant 0 : i32
      %dma_wait3A_121 = arith.constant 0 : i32
      %dma_wait3A_122 = tpu.memref_slice %arg5[%dma_wait3A_118, %dma_wait3A_120, %dma_wait3A_121] : memref<8x40x128xf32, #tpu.memory_space<vmem>> -> memref<1x40x128xf32, #tpu.memory_space<vmem>>
      %dma_wait3A_123 = tpu.memref_squeeze %dma_wait3A_122 : memref<1x40x128xf32, #tpu.memory_space<vmem>> -> memref<40x128xf32, #tpu.memory_space<vmem>>
      %dma_wait3A_124 = arith.constant 0 : i32
      %dma_wait3A_125 = tpu.memref_slice %arg6[%dma_wait3A_119, %dma_wait3A_124] : memref<8x40xi32, #tpu.memory_space<vmem>> -> memref<1x40xi32, #tpu.memory_space<vmem>>
      %dma_wait3A_126 = tpu.memref_squeeze %dma_wait3A_125 : memref<1x40xi32, #tpu.memory_space<vmem>> -> memref<40xi32, #tpu.memory_space<vmem>>
      %dma_wait3A_127 = arith.constant 0 : i32
      %dma_wait3A_128 = arith.constant 0 : i32
      %dma_wait3A_129 = tpu.memref_slice %arg8[%dma_wait3A_127, %dma_wait3A_128] : memref<64x128xf32, #tpu.memory_space<vmem_shared>> -> memref<64x128xf32, #tpu.memory_space<vmem_shared>>
      tpu.wait_indirect_dma semaphore(%arg10 : memref<!tpu.dma_semaphore, #tpu.memory_space<semaphore_mem>>) src(%dma_wait3A_123 : memref<40x128xf32, #tpu.memory_space<vmem>>) dst(%dma_wait3A_129 : memref<64x128xf32, #tpu.memory_space<vmem_shared>>)
      %dma_wait3A_130 = arith.constant 3 : i32
      %dma_wait3A_131 = arith.constant 3 : i32
      %dma_wait3A_132 = arith.constant 0 : i32
      %dma_wait3A_133 = arith.constant 0 : i32
      %dma_wait3A_134 = tpu.memref_slice %arg5[%dma_wait3A_130, %dma_wait3A_132, %dma_wait3A_133] : memref<8x40x128xf32, #tpu.memory_space<vmem>> -> memref<1x40x128xf32, #tpu.memory_space<vmem>>
      %dma_wait3A_135 = tpu.memref_squeeze %dma_wait3A_134 : memref<1x40x128xf32, #tpu.memory_space<vmem>> -> memref<40x128xf32, #tpu.memory_space<vmem>>
      %dma_wait3A_136 = arith.constant 0 : i32
      %dma_wait3A_137 = tpu.memref_slice %arg6[%dma_wait3A_131, %dma_wait3A_136] : memref<8x40xi32, #tpu.memory_space<vmem>> -> memref<1x40xi32, #tpu.memory_space<vmem>>
      %dma_wait3A_138 = tpu.memref_squeeze %dma_wait3A_137 : memref<1x40xi32, #tpu.memory_space<vmem>> -> memref<40xi32, #tpu.memory_space<vmem>>
      %dma_wait3A_139 = arith.constant 0 : i32
      %dma_wait3A_140 = arith.constant 0 : i32
      %dma_wait3A_141 = tpu.memref_slice %arg8[%dma_wait3A_139, %dma_wait3A_140] : memref<64x128xf32, #tpu.memory_space<vmem_shared>> -> memref<64x128xf32, #tpu.memory_space<vmem_shared>>
      tpu.wait_indirect_dma semaphore(%arg10 : memref<!tpu.dma_semaphore, #tpu.memory_space<semaphore_mem>>) src(%dma_wait3A_135 : memref<40x128xf32, #tpu.memory_space<vmem>>) dst(%dma_wait3A_141 : memref<64x128xf32, #tpu.memory_space<vmem_shared>>)
      %dma_wait3A_142 = arith.constant 4 : i32
      %dma_wait3A_143 = arith.constant 4 : i32
      %dma_wait3A_144 = arith.constant 0 : i32
      %dma_wait3A_145 = arith.constant 0 : i32
      %dma_wait3A_146 = tpu.memref_slice %arg5[%dma_wait3A_142, %dma_wait3A_144, %dma_wait3A_145] : memref<8x40x128xf32, #tpu.memory_space<vmem>> -> memref<1x40x128xf32, #tpu.memory_space<vmem>>
      %dma_wait3A_147 = tpu.memref_squeeze %dma_wait3A_146 : memref<1x40x128xf32, #tpu.memory_space<vmem>> -> memref<40x128xf32, #tpu.memory_space<vmem>>
      %dma_wait3A_148 = arith.constant 0 : i32
      %dma_wait3A_149 = tpu.memref_slice %arg6[%dma_wait3A_143, %dma_wait3A_148] : memref<8x40xi32, #tpu.memory_space<vmem>> -> memref<1x40xi32, #tpu.memory_space<vmem>>
      %dma_wait3A_150 = tpu.memref_squeeze %dma_wait3A_149 : memref<1x40xi32, #tpu.memory_space<vmem>> -> memref<40xi32, #tpu.memory_space<vmem>>
      %dma_wait3A_151 = arith.constant 0 : i32
      %dma_wait3A_152 = arith.constant 0 : i32
      %dma_wait3A_153 = tpu.memref_slice %arg8[%dma_wait3A_151, %dma_wait3A_152] : memref<64x128xf32, #tpu.memory_space<vmem_shared>> -> memref<64x128xf32, #tpu.memory_space<vmem_shared>>
      tpu.wait_indirect_dma semaphore(%arg10 : memref<!tpu.dma_semaphore, #tpu.memory_space<semaphore_mem>>) src(%dma_wait3A_147 : memref<40x128xf32, #tpu.memory_space<vmem>>) dst(%dma_wait3A_153 : memref<64x128xf32, #tpu.memory_space<vmem_shared>>)
      %dma_wait3A_154 = arith.constant 5 : i32
      %dma_wait3A_155 = arith.constant 5 : i32
      %dma_wait3A_156 = arith.constant 0 : i32
      %dma_wait3A_157 = arith.constant 0 : i32
      %dma_wait3A_158 = tpu.memref_slice %arg5[%dma_wait3A_154, %dma_wait3A_156, %dma_wait3A_157] : memref<8x40x128xf32, #tpu.memory_space<vmem>> -> memref<1x40x128xf32, #tpu.memory_space<vmem>>
      %dma_wait3A_159 = tpu.memref_squeeze %dma_wait3A_158 : memref<1x40x128xf32, #tpu.memory_space<vmem>> -> memref<40x128xf32, #tpu.memory_space<vmem>>
      %dma_wait3A_160 = arith.constant 0 : i32
      %dma_wait3A_161 = tpu.memref_slice %arg6[%dma_wait3A_155, %dma_wait3A_160] : memref<8x40xi32, #tpu.memory_space<vmem>> -> memref<1x40xi32, #tpu.memory_space<vmem>>
      %dma_wait3A_162 = tpu.memref_squeeze %dma_wait3A_161 : memref<1x40xi32, #tpu.memory_space<vmem>> -> memref<40xi32, #tpu.memory_space<vmem>>
      %dma_wait3A_163 = arith.constant 0 : i32
      %dma_wait3A_164 = arith.constant 0 : i32
      %dma_wait3A_165 = tpu.memref_slice %arg8[%dma_wait3A_163, %dma_wait3A_164] : memref<64x128xf32, #tpu.memory_space<vmem_shared>> -> memref<64x128xf32, #tpu.memory_space<vmem_shared>>
      tpu.wait_indirect_dma semaphore(%arg10 : memref<!tpu.dma_semaphore, #tpu.memory_space<semaphore_mem>>) src(%dma_wait3A_159 : memref<40x128xf32, #tpu.memory_space<vmem>>) dst(%dma_wait3A_165 : memref<64x128xf32, #tpu.memory_space<vmem_shared>>)
      %dma_wait3A_166 = arith.constant 6 : i32
      %dma_wait3A_167 = arith.constant 6 : i32
      %dma_wait3A_168 = arith.constant 0 : i32
      %dma_wait3A_169 = arith.constant 0 : i32
      %dma_wait3A_170 = tpu.memref_slice %arg5[%dma_wait3A_166, %dma_wait3A_168, %dma_wait3A_169] : memref<8x40x128xf32, #tpu.memory_space<vmem>> -> memref<1x40x128xf32, #tpu.memory_space<vmem>>
      %dma_wait3A_171 = tpu.memref_squeeze %dma_wait3A_170 : memref<1x40x128xf32, #tpu.memory_space<vmem>> -> memref<40x128xf32, #tpu.memory_space<vmem>>
      %dma_wait3A_172 = arith.constant 0 : i32
      %dma_wait3A_173 = tpu.memref_slice %arg6[%dma_wait3A_167, %dma_wait3A_172] : memref<8x40xi32, #tpu.memory_space<vmem>> -> memref<1x40xi32, #tpu.memory_space<vmem>>
      %dma_wait3A_174 = tpu.memref_squeeze %dma_wait3A_173 : memref<1x40xi32, #tpu.memory_space<vmem>> -> memref<40xi32, #tpu.memory_space<vmem>>
      %dma_wait3A_175 = arith.constant 0 : i32
      %dma_wait3A_176 = arith.constant 0 : i32
      %dma_wait3A_177 = tpu.memref_slice %arg8[%dma_wait3A_175, %dma_wait3A_176] : memref<64x128xf32, #tpu.memory_space<vmem_shared>> -> memref<64x128xf32, #tpu.memory_space<vmem_shared>>
      tpu.wait_indirect_dma semaphore(%arg10 : memref<!tpu.dma_semaphore, #tpu.memory_space<semaphore_mem>>) src(%dma_wait3A_171 : memref<40x128xf32, #tpu.memory_space<vmem>>) dst(%dma_wait3A_177 : memref<64x128xf32, #tpu.memory_space<vmem_shared>>)
      %dma_wait3A_178 = arith.constant 7 : i32
      %dma_wait3A_179 = arith.constant 7 : i32
      %dma_wait3A_180 = arith.constant 0 : i32
      %dma_wait3A_181 = arith.constant 0 : i32
      %dma_wait3A_182 = tpu.memref_slice %arg5[%dma_wait3A_178, %dma_wait3A_180, %dma_wait3A_181] : memref<8x40x128xf32, #tpu.memory_space<vmem>> -> memref<1x40x128xf32, #tpu.memory_space<vmem>>
      %dma_wait3A_183 = tpu.memref_squeeze %dma_wait3A_182 : memref<1x40x128xf32, #tpu.memory_space<vmem>> -> memref<40x128xf32, #tpu.memory_space<vmem>>
      %dma_wait3A_184 = arith.constant 0 : i32
      %dma_wait3A_185 = tpu.memref_slice %arg6[%dma_wait3A_179, %dma_wait3A_184] : memref<8x40xi32, #tpu.memory_space<vmem>> -> memref<1x40xi32, #tpu.memory_space<vmem>>
      %dma_wait3A_186 = tpu.memref_squeeze %dma_wait3A_185 : memref<1x40xi32, #tpu.memory_space<vmem>> -> memref<40xi32, #tpu.memory_space<vmem>>
      %dma_wait3A_187 = arith.constant 0 : i32
      %dma_wait3A_188 = arith.constant 0 : i32
      %dma_wait3A_189 = tpu.memref_slice %arg8[%dma_wait3A_187, %dma_wait3A_188] : memref<64x128xf32, #tpu.memory_space<vmem_shared>> -> memref<64x128xf32, #tpu.memory_space<vmem_shared>>
      tpu.wait_indirect_dma semaphore(%arg10 : memref<!tpu.dma_semaphore, #tpu.memory_space<semaphore_mem>>) src(%dma_wait3A_183 : memref<40x128xf32, #tpu.memory_space<vmem>>) dst(%dma_wait3A_189 : memref<64x128xf32, #tpu.memory_space<vmem_shared>>)
    } else {
    }
    %convert_element_type3A_97 = arith.extui %eq3A_3 : i1 to i32
    %cond3A_98 = arith.constant 0 : i32
    %cond3A_99 = arith.cmpi ne, %convert_element_type3A_97, %cond3A_98 : i32
    scf.if %cond3A_99 {
      %dma_wait3A_106 = arith.constant 1 : i32
      %dma_wait3A_107 = arith.constant 1 : i32
      %dma_wait3A_108 = arith.constant 0 : i32
      %dma_wait3A_109 = arith.constant 0 : i32
      %dma_wait3A_110 = tpu.memref_slice %arg5[%dma_wait3A_106, %dma_wait3A_108, %dma_wait3A_109] : memref<8x40x128xf32, #tpu.memory_space<vmem>> -> memref<1x40x128xf32, #tpu.memory_space<vmem>>
      %dma_wait3A_111 = tpu.memref_squeeze %dma_wait3A_110 : memref<1x40x128xf32, #tpu.memory_space<vmem>> -> memref<40x128xf32, #tpu.memory_space<vmem>>
      %dma_wait3A_112 = arith.constant 0 : i32
      %dma_wait3A_113 = tpu.memref_slice %arg6[%dma_wait3A_107, %dma_wait3A_112] : memref<8x40xi32, #tpu.memory_space<vmem>> -> memref<1x40xi32, #tpu.memory_space<vmem>>
      %dma_wait3A_114 = tpu.memref_squeeze %dma_wait3A_113 : memref<1x40xi32, #tpu.memory_space<vmem>> -> memref<40xi32, #tpu.memory_space<vmem>>
      %dma_wait3A_115 = arith.constant 0 : i32
      %dma_wait3A_116 = arith.constant 0 : i32
      %dma_wait3A_117 = tpu.memref_slice %arg8[%dma_wait3A_115, %dma_wait3A_116] : memref<64x128xf32, #tpu.memory_space<vmem_shared>> -> memref<64x128xf32, #tpu.memory_space<vmem_shared>>
      tpu.wait_indirect_dma semaphore(%arg10 : memref<!tpu.dma_semaphore, #tpu.memory_space<semaphore_mem>>) src(%dma_wait3A_111 : memref<40x128xf32, #tpu.memory_space<vmem>>) dst(%dma_wait3A_117 : memref<64x128xf32, #tpu.memory_space<vmem_shared>>)
    } else {
    }
    %barrier3A_100 = arith.constant 0 : index
    tpu.barrier barrier_id(%barrier3A_100)
    %eq3A_101 = arith.constant 0 : i32
    %eq3A_102 = arith.cmpi eq, %arg1, %eq3A_101 : i32
    %convert_element_type3A_103 = arith.extui %eq3A_102 : i1 to i32
    %cond3A_104 = arith.constant 0 : i32
    %cond3A_105 = arith.cmpi ne, %convert_element_type3A_103, %cond3A_104 : i32
    scf.if %cond3A_105 {
      "tpu.region"() ({
        %run_scoped3A = tpu.sem_alloc : memref<!tpu.dma_semaphore, #tpu.memory_space<semaphore_mem>>
        %dma_start3A_106 = arith.constant 0 : i32
        %dma_start3A_107 = arith.constant 0 : i32
        %dma_start3A_108 = tpu.memref_slice %arg4[%arg0, %dma_start3A_106, %dma_start3A_107] : memref<2x64x128xf32, #tpu.memory_space<hbm>> -> memref<1x64x128xf32, #tpu.memory_space<hbm>>
        %dma_start3A_109 = tpu.memref_squeeze %dma_start3A_108 : memref<1x64x128xf32, #tpu.memory_space<hbm>> -> memref<64x128xf32, #tpu.memory_space<hbm>>
        tpu.enqueue_dma source(%arg8 : memref<64x128xf32, #tpu.memory_space<vmem_shared>>) target(%dma_start3A_109 : memref<64x128xf32, #tpu.memory_space<hbm>>) target_semaphore(%run_scoped3A : memref<!tpu.dma_semaphore, #tpu.memory_space<semaphore_mem>>)
        %dma_wait3A_110 = arith.constant 0 : i32
        %dma_wait3A_111 = arith.constant 0 : i32
        %dma_wait3A_112 = tpu.memref_slice %arg4[%arg0, %dma_wait3A_110, %dma_wait3A_111] : memref<2x64x128xf32, #tpu.memory_space<hbm>> -> memref<1x64x128xf32, #tpu.memory_space<hbm>>
        %dma_wait3A_113 = tpu.memref_squeeze %dma_wait3A_112 : memref<1x64x128xf32, #tpu.memory_space<hbm>> -> memref<64x128xf32, #tpu.memory_space<hbm>>
        tpu.wait_dma2 semaphore(%run_scoped3A : memref<!tpu.dma_semaphore, #tpu.memory_space<semaphore_mem>>) src(%arg8 : memref<64x128xf32, #tpu.memory_space<vmem_shared>>) dst(%dma_wait3A_113 : memref<64x128xf32, #tpu.memory_space<hbm>>)
        tpu.yield
      }) : () -> ()
    } else {
    }
    return
  }
}

module attributes {stable_mosaic.version = 14 : i64} {
  func.func @body(%arg0: memref<2x64x128xf32, #tpu.memory_space<vmem>>, %arg1: memref<10000xi32, #tpu.memory_space<vmem>>, %arg2: memref<64x64xf32, #tpu.memory_space<vmem>>, %arg3: memref<192xf32, #tpu.memory_space<vmem>>, %arg4: memref<192xf32, #tpu.memory_space<vmem>>, %arg5: memref<192x128xf32, #tpu.memory_space<vmem>>, %arg6: memref<128xf32, #tpu.memory_space<vmem>>, %arg7: memref<128xf32, #tpu.memory_space<vmem>>, %arg8: memref<128xf32, #tpu.memory_space<vmem>>, %arg9: memref<128x128xf32, #tpu.memory_space<vmem>>, %arg10: memref<128xf32, #tpu.memory_space<vmem>>, %arg11: memref<128xf32, #tpu.memory_space<vmem>>, %arg12: memref<128xf32, #tpu.memory_space<vmem>>, %arg13: memref<128x128xf32, #tpu.memory_space<vmem>>, %arg14: memref<128xf32, #tpu.memory_space<vmem>>, %arg15: memref<64x128xf32, #tpu.memory_space<vmem>>) attributes {dimension_semantics = [], scalar_prefetch = 0 : i64, scratch_operands = 0 : i64, tpu.core_type = #tpu.core_type<tc>} {
    %get3A = arith.constant 0 : index
    %get3A_0 = arith.constant 0 : index
    %get3A_1 = arith.constant 0 : index
    %get3A_2 = vector.load %arg0[%get3A, %get3A_0, %get3A_1] : memref<2x64x128xf32, #tpu.memory_space<vmem>>, vector<1x64x128xf32>
    %get3A_3 = vector.shape_cast %get3A_2 : vector<1x64x128xf32> to vector<64x128xf32>
    %get3A_4 = arith.constant 1 : index
    %get3A_5 = arith.constant 0 : index
    %get3A_6 = arith.constant 0 : index
    %get3A_7 = vector.load %arg0[%get3A_4, %get3A_5, %get3A_6] : memref<2x64x128xf32, #tpu.memory_space<vmem>>, vector<1x64x128xf32>
    %get3A_8 = vector.shape_cast %get3A_7 : vector<1x64x128xf32> to vector<64x128xf32>
    %add3A = arith.addf %get3A_3, %get3A_8 : vector<64x128xf32>
    %iota3A = tpu.iota {dimensions = array<i32: 0>} : vector<64x1xi32>
    %get3A_9 = arith.constant 0 : index
    %get3A_10 = vector.load %arg1[%get3A_9] : memref<10000xi32, #tpu.memory_space<vmem>>, vector<10000xi32>
    %broadcast_in_dim3A = vector.shape_cast %get3A_10 : vector<10000xi32> to vector<1x10000xi32>
    %eq3A = vector.broadcast %broadcast_in_dim3A : vector<1x10000xi32> to vector<64x10000xi32>
    %eq3A_11 = vector.broadcast %iota3A : vector<64x1xi32> to vector<64x10000xi32>
    %eq3A_12 = arith.cmpi eq, %eq3A, %eq3A_11 : vector<64x10000xi32>
    %convert_element_type3A = arith.extui %eq3A_12 : vector<64x10000xi1> to vector<64x10000xi32>
    %convert_element_type3A_13 = arith.sitofp %convert_element_type3A : vector<64x10000xi32> to vector<64x10000xf32>
    %broadcast_in_dim3A_14 = arith.constant 1.000000e+00 : f32
    %broadcast_in_dim3A_15 = vector.broadcast %broadcast_in_dim3A_14 : f32 to vector<10000x1xf32>
    %dot_general3A = arith.constant dense<0.000000e+00> : vector<64x1xf32>
    %dot_general3A_16 = tpu.matmul %convert_element_type3A_13, %broadcast_in_dim3A_15, %dot_general3A {dimension_numbers = #tpu.dot_dimension_numbers<[1], [0], [0], [1], [0, 0, 1, 1], [], []>, transpose_lhs_hint = false} : vector<64x10000xf32>, vector<10000x1xf32>, vector<64x1xf32> -> vector<64x1xf32>
    %jit3A = arith.constant 1.000000e+00 : f32
    %max3A = vector.broadcast %jit3A : f32 to vector<64x1xf32>
    %max3A_17 = arith.maximumf %max3A, %dot_general3A_16 : vector<64x1xf32>
    %div3A = vector.broadcast %max3A_17 : vector<64x1xf32> to vector<64x128xf32>
    %div3A_18 = arith.divf %add3A, %div3A : vector<64x128xf32>
    %get3A_19 = arith.constant 0 : index
    %get3A_20 = arith.constant 0 : index
    %get3A_21 = vector.load %arg2[%get3A_19, %get3A_20] : memref<64x64xf32, #tpu.memory_space<vmem>>, vector<64x64xf32>
    %concatenate3A = tpu.concatenate %get3A_21, %div3A_18 in 1 : vector<64x64xf32>, vector<64x128xf32> -> vector<64x192xf32>
    %reduce_sum3A = arith.constant dense<0.000000e+00> : vector<192xf32>
    %reduce_sum3A_22 = vector.multi_reduction <add>, %concatenate3A, %reduce_sum3A [0] : vector<64x192xf32> to vector<192xf32>
    %broadcast_in_dim3A_23 = vector.shape_cast %reduce_sum3A_22 : vector<192xf32> to vector<1x192xf32>
    %div3A_24 = arith.constant 6.400000e+01 : f32
    %div3A_25 = vector.broadcast %div3A_24 : f32 to vector<1x192xf32>
    %div3A_26 = arith.divf %broadcast_in_dim3A_23, %div3A_25 : vector<1x192xf32>
    %sub3A = vector.broadcast %div3A_26 : vector<1x192xf32> to vector<64x192xf32>
    %sub3A_27 = arith.subf %concatenate3A, %sub3A : vector<64x192xf32>
    %sub3A_28 = vector.broadcast %div3A_26 : vector<1x192xf32> to vector<64x192xf32>
    %sub3A_29 = arith.subf %concatenate3A, %sub3A_28 : vector<64x192xf32>
    %mul3A = arith.mulf %sub3A_27, %sub3A_29 : vector<64x192xf32>
    %reduce_sum3A_30 = arith.constant dense<0.000000e+00> : vector<192xf32>
    %reduce_sum3A_31 = vector.multi_reduction <add>, %mul3A, %reduce_sum3A_30 [0] : vector<64x192xf32> to vector<192xf32>
    %broadcast_in_dim3A_32 = vector.shape_cast %reduce_sum3A_31 : vector<192xf32> to vector<1x192xf32>
    %div3A_33 = arith.constant 6.400000e+01 : f32
    %div3A_34 = vector.broadcast %div3A_33 : f32 to vector<1x192xf32>
    %div3A_35 = arith.divf %broadcast_in_dim3A_32, %div3A_34 : vector<1x192xf32>
    %get3A_36 = arith.constant 0 : index
    %get3A_37 = vector.load %arg3[%get3A_36] : memref<192xf32, #tpu.memory_space<vmem>>, vector<192xf32>
    %broadcast_in_dim3A_38 = vector.shape_cast %get3A_37 : vector<192xf32> to vector<1x192xf32>
    %sub3A_39 = vector.broadcast %div3A_26 : vector<1x192xf32> to vector<64x192xf32>
    %sub3A_40 = arith.subf %concatenate3A, %sub3A_39 : vector<64x192xf32>
    %mul3A_41 = vector.broadcast %broadcast_in_dim3A_38 : vector<1x192xf32> to vector<64x192xf32>
    %mul3A_42 = arith.mulf %mul3A_41, %sub3A_40 : vector<64x192xf32>
    %add3A_43 = arith.constant 9.99999974E-6 : f32
    %add3A_44 = vector.broadcast %add3A_43 : f32 to vector<1x192xf32>
    %add3A_45 = arith.addf %div3A_35, %add3A_44 : vector<1x192xf32>
    %rsqrt3A = math.rsqrt %add3A_45 : vector<1x192xf32>
    %mul3A_46 = vector.broadcast %rsqrt3A : vector<1x192xf32> to vector<64x192xf32>
    %mul3A_47 = arith.mulf %mul3A_42, %mul3A_46 : vector<64x192xf32>
    %get3A_48 = arith.constant 0 : index
    %get3A_49 = vector.load %arg4[%get3A_48] : memref<192xf32, #tpu.memory_space<vmem>>, vector<192xf32>
    %broadcast_in_dim3A_50 = vector.shape_cast %get3A_49 : vector<192xf32> to vector<1x192xf32>
    %add3A_51 = vector.broadcast %broadcast_in_dim3A_50 : vector<1x192xf32> to vector<64x192xf32>
    %add3A_52 = arith.addf %mul3A_47, %add3A_51 : vector<64x192xf32>
    %get3A_53 = arith.constant 0 : index
    %get3A_54 = arith.constant 0 : index
    %get3A_55 = vector.load %arg5[%get3A_53, %get3A_54] : memref<192x128xf32, #tpu.memory_space<vmem>>, vector<192x128xf32>
    %dot_general3A_56 = arith.constant dense<0.000000e+00> : vector<64x128xf32>
    %dot_general3A_57 = tpu.matmul %add3A_52, %get3A_55, %dot_general3A_56 {dimension_numbers = #tpu.dot_dimension_numbers<[1], [0], [0], [1], [0, 0, 1, 1], [], []>, transpose_lhs_hint = false} : vector<64x192xf32>, vector<192x128xf32>, vector<64x128xf32> -> vector<64x128xf32>
    %get3A_58 = arith.constant 0 : index
    %get3A_59 = vector.load %arg6[%get3A_58] : memref<128xf32, #tpu.memory_space<vmem>>, vector<128xf32>
    %broadcast_in_dim3A_60 = vector.shape_cast %get3A_59 : vector<128xf32> to vector<1x128xf32>
    %add3A_61 = vector.broadcast %broadcast_in_dim3A_60 : vector<1x128xf32> to vector<64x128xf32>
    %add3A_62 = arith.addf %dot_general3A_57, %add3A_61 : vector<64x128xf32>
    %ge3A = arith.constant 0.000000e+00 : f32
    %ge3A_63 = vector.broadcast %ge3A : f32 to vector<64x128xf32>
    %ge3A_64 = arith.cmpf oge, %add3A_62, %ge3A_63 : vector<64x128xf32>
    %mul3A_65 = arith.constant 0.000000e+00 : f32
    %mul3A_66 = vector.broadcast %mul3A_65 : f32 to vector<64x128xf32>
    %mul3A_67 = arith.mulf %mul3A_66, %add3A_62 : vector<64x128xf32>
    %select_n3A = arith.select %ge3A_64, %add3A_62, %mul3A_67 : vector<64x128xi1>, vector<64x128xf32>
    %reduce_sum3A_68 = arith.constant dense<0.000000e+00> : vector<128xf32>
    %reduce_sum3A_69 = vector.multi_reduction <add>, %select_n3A, %reduce_sum3A_68 [0] : vector<64x128xf32> to vector<128xf32>
    %broadcast_in_dim3A_70 = vector.shape_cast %reduce_sum3A_69 : vector<128xf32> to vector<1x128xf32>
    %div3A_71 = arith.constant 6.400000e+01 : f32
    %div3A_72 = vector.broadcast %div3A_71 : f32 to vector<1x128xf32>
    %div3A_73 = arith.divf %broadcast_in_dim3A_70, %div3A_72 : vector<1x128xf32>
    %sub3A_74 = vector.broadcast %div3A_73 : vector<1x128xf32> to vector<64x128xf32>
    %sub3A_75 = arith.subf %select_n3A, %sub3A_74 : vector<64x128xf32>
    %sub3A_76 = vector.broadcast %div3A_73 : vector<1x128xf32> to vector<64x128xf32>
    %sub3A_77 = arith.subf %select_n3A, %sub3A_76 : vector<64x128xf32>
    %mul3A_78 = arith.mulf %sub3A_75, %sub3A_77 : vector<64x128xf32>
    %reduce_sum3A_79 = arith.constant dense<0.000000e+00> : vector<128xf32>
    %reduce_sum3A_80 = vector.multi_reduction <add>, %mul3A_78, %reduce_sum3A_79 [0] : vector<64x128xf32> to vector<128xf32>
    %broadcast_in_dim3A_81 = vector.shape_cast %reduce_sum3A_80 : vector<128xf32> to vector<1x128xf32>
    %div3A_82 = arith.constant 6.400000e+01 : f32
    %div3A_83 = vector.broadcast %div3A_82 : f32 to vector<1x128xf32>
    %div3A_84 = arith.divf %broadcast_in_dim3A_81, %div3A_83 : vector<1x128xf32>
    %get3A_85 = arith.constant 0 : index
    %get3A_86 = vector.load %arg7[%get3A_85] : memref<128xf32, #tpu.memory_space<vmem>>, vector<128xf32>
    %broadcast_in_dim3A_87 = vector.shape_cast %get3A_86 : vector<128xf32> to vector<1x128xf32>
    %sub3A_88 = vector.broadcast %div3A_73 : vector<1x128xf32> to vector<64x128xf32>
    %sub3A_89 = arith.subf %select_n3A, %sub3A_88 : vector<64x128xf32>
    %mul3A_90 = vector.broadcast %broadcast_in_dim3A_87 : vector<1x128xf32> to vector<64x128xf32>
    %mul3A_91 = arith.mulf %mul3A_90, %sub3A_89 : vector<64x128xf32>
    %add3A_92 = arith.constant 9.99999974E-6 : f32
    %add3A_93 = vector.broadcast %add3A_92 : f32 to vector<1x128xf32>
    %add3A_94 = arith.addf %div3A_84, %add3A_93 : vector<1x128xf32>
    %rsqrt3A_95 = math.rsqrt %add3A_94 : vector<1x128xf32>
    %mul3A_96 = vector.broadcast %rsqrt3A_95 : vector<1x128xf32> to vector<64x128xf32>
    %mul3A_97 = arith.mulf %mul3A_91, %mul3A_96 : vector<64x128xf32>
    %get3A_98 = arith.constant 0 : index
    %get3A_99 = vector.load %arg8[%get3A_98] : memref<128xf32, #tpu.memory_space<vmem>>, vector<128xf32>
    %broadcast_in_dim3A_100 = vector.shape_cast %get3A_99 : vector<128xf32> to vector<1x128xf32>
    %add3A_101 = vector.broadcast %broadcast_in_dim3A_100 : vector<1x128xf32> to vector<64x128xf32>
    %add3A_102 = arith.addf %mul3A_97, %add3A_101 : vector<64x128xf32>
    %get3A_103 = arith.constant 0 : index
    %get3A_104 = arith.constant 0 : index
    %get3A_105 = vector.load %arg9[%get3A_103, %get3A_104] : memref<128x128xf32, #tpu.memory_space<vmem>>, vector<128x128xf32>
    %dot_general3A_106 = arith.constant dense<0.000000e+00> : vector<64x128xf32>
    %dot_general3A_107 = tpu.matmul %add3A_102, %get3A_105, %dot_general3A_106 {dimension_numbers = #tpu.dot_dimension_numbers<[1], [0], [0], [1], [0, 0, 1, 1], [], []>, transpose_lhs_hint = false} : vector<64x128xf32>, vector<128x128xf32>, vector<64x128xf32> -> vector<64x128xf32>
    %get3A_108 = arith.constant 0 : index
    %get3A_109 = vector.load %arg10[%get3A_108] : memref<128xf32, #tpu.memory_space<vmem>>, vector<128xf32>
    %broadcast_in_dim3A_110 = vector.shape_cast %get3A_109 : vector<128xf32> to vector<1x128xf32>
    %add3A_111 = vector.broadcast %broadcast_in_dim3A_110 : vector<1x128xf32> to vector<64x128xf32>
    %add3A_112 = arith.addf %dot_general3A_107, %add3A_111 : vector<64x128xf32>
    %ge3A_113 = arith.constant 0.000000e+00 : f32
    %ge3A_114 = vector.broadcast %ge3A_113 : f32 to vector<64x128xf32>
    %ge3A_115 = arith.cmpf oge, %add3A_112, %ge3A_114 : vector<64x128xf32>
    %mul3A_116 = arith.constant 0.000000e+00 : f32
    %mul3A_117 = vector.broadcast %mul3A_116 : f32 to vector<64x128xf32>
    %mul3A_118 = arith.mulf %mul3A_117, %add3A_112 : vector<64x128xf32>
    %select_n3A_119 = arith.select %ge3A_115, %add3A_112, %mul3A_118 : vector<64x128xi1>, vector<64x128xf32>
    %reduce_sum3A_120 = arith.constant dense<0.000000e+00> : vector<128xf32>
    %reduce_sum3A_121 = vector.multi_reduction <add>, %select_n3A_119, %reduce_sum3A_120 [0] : vector<64x128xf32> to vector<128xf32>
    %broadcast_in_dim3A_122 = vector.shape_cast %reduce_sum3A_121 : vector<128xf32> to vector<1x128xf32>
    %div3A_123 = arith.constant 6.400000e+01 : f32
    %div3A_124 = vector.broadcast %div3A_123 : f32 to vector<1x128xf32>
    %div3A_125 = arith.divf %broadcast_in_dim3A_122, %div3A_124 : vector<1x128xf32>
    %sub3A_126 = vector.broadcast %div3A_125 : vector<1x128xf32> to vector<64x128xf32>
    %sub3A_127 = arith.subf %select_n3A_119, %sub3A_126 : vector<64x128xf32>
    %sub3A_128 = vector.broadcast %div3A_125 : vector<1x128xf32> to vector<64x128xf32>
    %sub3A_129 = arith.subf %select_n3A_119, %sub3A_128 : vector<64x128xf32>
    %mul3A_130 = arith.mulf %sub3A_127, %sub3A_129 : vector<64x128xf32>
    %reduce_sum3A_131 = arith.constant dense<0.000000e+00> : vector<128xf32>
    %reduce_sum3A_132 = vector.multi_reduction <add>, %mul3A_130, %reduce_sum3A_131 [0] : vector<64x128xf32> to vector<128xf32>
    %broadcast_in_dim3A_133 = vector.shape_cast %reduce_sum3A_132 : vector<128xf32> to vector<1x128xf32>
    %div3A_134 = arith.constant 6.400000e+01 : f32
    %div3A_135 = vector.broadcast %div3A_134 : f32 to vector<1x128xf32>
    %div3A_136 = arith.divf %broadcast_in_dim3A_133, %div3A_135 : vector<1x128xf32>
    %get3A_137 = arith.constant 0 : index
    %get3A_138 = vector.load %arg11[%get3A_137] : memref<128xf32, #tpu.memory_space<vmem>>, vector<128xf32>
    %broadcast_in_dim3A_139 = vector.shape_cast %get3A_138 : vector<128xf32> to vector<1x128xf32>
    %sub3A_140 = vector.broadcast %div3A_125 : vector<1x128xf32> to vector<64x128xf32>
    %sub3A_141 = arith.subf %select_n3A_119, %sub3A_140 : vector<64x128xf32>
    %mul3A_142 = vector.broadcast %broadcast_in_dim3A_139 : vector<1x128xf32> to vector<64x128xf32>
    %mul3A_143 = arith.mulf %mul3A_142, %sub3A_141 : vector<64x128xf32>
    %add3A_144 = arith.constant 9.99999974E-6 : f32
    %add3A_145 = vector.broadcast %add3A_144 : f32 to vector<1x128xf32>
    %add3A_146 = arith.addf %div3A_136, %add3A_145 : vector<1x128xf32>
    %rsqrt3A_147 = math.rsqrt %add3A_146 : vector<1x128xf32>
    %mul3A_148 = vector.broadcast %rsqrt3A_147 : vector<1x128xf32> to vector<64x128xf32>
    %mul3A_149 = arith.mulf %mul3A_143, %mul3A_148 : vector<64x128xf32>
    %get3A_150 = arith.constant 0 : index
    %get3A_151 = vector.load %arg12[%get3A_150] : memref<128xf32, #tpu.memory_space<vmem>>, vector<128xf32>
    %broadcast_in_dim3A_152 = vector.shape_cast %get3A_151 : vector<128xf32> to vector<1x128xf32>
    %add3A_153 = vector.broadcast %broadcast_in_dim3A_152 : vector<1x128xf32> to vector<64x128xf32>
    %add3A_154 = arith.addf %mul3A_149, %add3A_153 : vector<64x128xf32>
    %get3A_155 = arith.constant 0 : index
    %get3A_156 = arith.constant 0 : index
    %get3A_157 = vector.load %arg13[%get3A_155, %get3A_156] : memref<128x128xf32, #tpu.memory_space<vmem>>, vector<128x128xf32>
    %dot_general3A_158 = arith.constant dense<0.000000e+00> : vector<64x128xf32>
    %dot_general3A_159 = tpu.matmul %add3A_154, %get3A_157, %dot_general3A_158 {dimension_numbers = #tpu.dot_dimension_numbers<[1], [0], [0], [1], [0, 0, 1, 1], [], []>, transpose_lhs_hint = false} : vector<64x128xf32>, vector<128x128xf32>, vector<64x128xf32> -> vector<64x128xf32>
    %get3A_160 = arith.constant 0 : index
    %get3A_161 = vector.load %arg14[%get3A_160] : memref<128xf32, #tpu.memory_space<vmem>>, vector<128xf32>
    %broadcast_in_dim3A_162 = vector.shape_cast %get3A_161 : vector<128xf32> to vector<1x128xf32>
    %add3A_163 = vector.broadcast %broadcast_in_dim3A_162 : vector<1x128xf32> to vector<64x128xf32>
    %add3A_164 = arith.addf %dot_general3A_159, %add3A_163 : vector<64x128xf32>
    %swap3A = arith.constant 0 : index
    %swap3A_165 = arith.constant 0 : index
    %swap3A_166 = vector.load %arg15[%swap3A, %swap3A_165] : memref<64x128xf32, #tpu.memory_space<vmem>>, vector<64x128xf32>
    tpu.vector_store %arg15[%swap3A, %swap3A_165], %add3A_164 {strides = array<i32>} : memref<64x128xf32, #tpu.memory_space<vmem>>, vector<64x128xf32>,
    return
  }
}

</mosaic_0001>

<sc_bundles>
// kernel: kernel.4.cloned.1.call-start
scs
__scs_entry_jumppad:
0x0: {  	(pc) =	sbr.rel $0x88, $3  }
0x1: {  	(tag) =	ssettag $0x0;
	lr =	simm.s32 $0x1  }
0x2: {  	[smem:$0x3F92] =	sst lr;
	_ =	strace $0xD0000000  }
0x3: {  	_ = 	snop  }
0x4: {  	_ = 	snop  }
0x5: {  	_ = 	snop  }
0x6: {  	_ = 	snop  }
0x7: {  	_ = 	snop  }
__scs_overlays_trampoline_lowered:
0x8: {  	[smem:$0x3FA1] =	sst s0  }
0x9: {  	[smem:$0x3FA2] =	sst s1  }
0xa: {  	[smem:$0x3FA3] =	sst s2  }
0xb: {  	[smem:$0x3FA4] =	sst s3  }
0xc: {  	[smem:$0x3FA5] =	sst s4  }
0xd: {  	[smem:$0x3FA6] =	sst s5  }
0xe: {  	[smem:$0x3FA7] =	sst s6  }
0xf: {  	[smem:$0x3FA8] =	sst s7  }
0x10: {  	[smem:$0x3FA9] =	sst s8  }
0x11: {  	[smem:$0x3FAA] =	sst s9;
	s0 =	simm.s32 @!p0 $0x0  }
0x12: {  	s1 =	sld [smem:$0x3F90];
	s0 =	simm.s32 @p0 $0x1  }
0x13: {  	[smem:$0x3FAB] =	sst s0;
	s0 =	simm.s32 @!p1 $0x0  }
0x14: {  	s2 =	sld [smem:$0x3F8F];
	s0 =	simm.s32 @p1 $0x1  }
0x15: {  	[smem:$0x3FAC] =	sst s0;
	s0 =	simm.s32 @!p2 $0x0  }
0x16: {  	s3 =	sld [smem:$0x3FDB];
	s0 =	simm.s32 @p2 $0x1  }
0x17: {  	s4 =	simm.s32 $0x1BF5;
	[smem:$0x3FAE] =	sst s0  }
0x18: {  	s0 =	sld [smem:$0x3F91];
	_ =	swait.ge [sflag:s4], $0x0  }
0x19: {  	s7 =	sld [smem:$0x3F92]  }
0x1a: {  	s8 =	sadd.s32 $0xFFFFE003, lr  }
0x1b: {  	s9 =	sadd.s32 $0xFFFFFEF7, lr;
	s5 =	simm.s32 $0xFFFFFFFF;
	p2 =	slt.u32 s8, $0xFFFFF086  }
0x1c: {  	p1 =	slt.u32 s9, $0xF7A;
	s5 =	simm.s32 @!p2 $0x0  }
0x1d: {  	s5 =	simm.s32 @p1 $0x1;
	p0 =	seq.s32 s7, s2  }
0x1e: {  	s7 =	smul.u32 @!p0 $0xF7A, s2;
	p2 =	seq.s32 @!p0 s5, $0x0  }
0x1f: {  	s9 =	smul.u32 $0xF7A, s1;
	s8 =	simm.s32 @!p0 $0x1BF5;
	p2 =	por !p2, p0  }
0x20: {  	[sflag:s8] =	ssyncset.s32 @!p0 $0xFFFFF086;
	s6 =	sadd.s32 @!p0 s3, s7;
	s7 =	simm.s32 @!p0 $0x108  }
0x21: {  	s3 =	sadd.s32 s3, s9;
	s6 =	sadd.s32 @!p0 $0x88, s6;
	s7 =	simm.s32 @p2 $0x1082  }
0x22: {  	[simem:s7], [sflag:s8] =	dma.local @!p0 [hbm:s6], $0xF7A  }
0x23: {  	s9 =	sor.u32 $0xD0000000, s2;
	s6 =	simm.s32 $0x108;
	_ =	swait.ge @!p0 [sflag:s8], $0x0  }
0x24: {  	s3 =	sadd.s32 $0x88, s3;
	s6 =	simm.s32 @!p1 $0x1082;
	[sflag:s4] =	ssyncset.s32 $0xFFFFF086  }
0x25: {  	[simem:s6], [sflag:s4] =	dma.local [hbm:s3], $0xF7A  }
0x26: {  	[smem:$0x3F92] =	sst s1;
	(tag) =	ssettag s2;
	_ =	strace s9  }
0x27: {  	s1 =	sld [smem:$0x3FA2]  }
0x28: {  	s2 =	sld [smem:$0x3FA3]  }
0x29: {  	s4 =	sld [smem:$0x3FA5]  }
0x2a: {  	p0 =	seq.s32 s5, $0x0;
	s5 =	sld [smem:$0x3FA6]  }
0x2b: {  	s6 =	sld [smem:$0x3FA7]  }
0x2c: {  	s7 =	sld [smem:$0x3FA8]  }
0x2d: {  	s3 =	simm.s32 $0x108;
	s8 =	sld [smem:$0x3FA9]  }
0x2e: {  	s3 =	simm.s32 @!p0 $0x1082;
	s9 =	sld [smem:$0x3FAA]  }
0x2f: {  	lr =	sadd.s32 s0, s3;
	s0 =	sld [smem:$0x3FA1]  }
0x30: {  	s3 =	sld [smem:$0x3FA4]  }
0x31: {  	[smem:$0x3FAD] =	sst s10  }
0x32: {  	s10 =	sld [smem:$0x3FAB];
	_ =	sdelay $0x3  }
0x33: {  	p0 =	seq.s32 s10, $0x1;
	s10 =	sld [smem:$0x3FAD];
	_ =	sdelay $0x3  }
0x34: {  	[smem:$0x3FAD] =	sst s10  }
0x35: {  	s10 =	sld [smem:$0x3FAC];
	_ =	sdelay $0x3  }
0x36: {  	p1 =	seq.s32 s10, $0x1;
	s10 =	sld [smem:$0x3FAD];
	_ =	sdelay $0x3  }
0x37: {  	[smem:$0x3FAD] =	sst s10  }
0x38: {  	s10 =	sld [smem:$0x3FAE]  }
0x39: {  	_ = 	snop;
	(pc) =	sbr.ind lr, $3  }
0x3a: {  	_ = 	snop  }
0x3b: {  	_ = 	snop  }
0x3c: {  	p2 =	seq.s32 s10, $0x1;
	s10 =	sld [smem:$0x3FAD]  }
0x3d: {  	_ =	shalt  }
0x3e: {  	_ =	shalt  }
0x3f: {  	_ =	shalt  }
0x40: {  	_ =	shalt  }
0x41: {  	_ =	shalt  }
0x42: {  	_ =	shalt  }
0x43: {  	_ =	shalt  }
0x44: {  	_ =	shalt  }
0x45: {  	_ =	shalt  }
0x46: {  	_ =	shalt  }
0x47: {  	_ =	shalt  }
0x48: {  	_ =	shalt  }
0x49: {  	_ =	shalt  }
0x4a: {  	_ =	shalt  }
0x4b: {  	_ =	shalt  }
0x4c: {  	_ =	shalt  }
0x4d: {  	_ =	shalt  }
0x4e: {  	_ =	shalt  }
0x4f: {  	_ =	shalt  }
0x50: {  	_ =	shalt  }
0x51: {  	_ =	shalt  }
0x52: {  	_ =	shalt  }
0x53: {  	_ =	shalt  }
0x54: {  	_ =	shalt  }
0x55: {  	_ =	shalt  }
0x56: {  	_ =	shalt  }
0x57: {  	_ =	shalt  }
0x58: {  	_ =	shalt  }
0x59: {  	_ =	shalt  }
0x5a: {  	_ =	shalt  }
0x5b: {  	_ =	shalt  }
0x5c: {  	_ =	shalt  }
0x5d: {  	_ =	shalt  }
0x5e: {  	_ =	shalt  }
0x5f: {  	_ =	shalt  }
0x60: {  	_ =	shalt  }
0x61: {  	_ =	shalt  }
0x62: {  	_ =	shalt  }
0x63: {  	_ =	shalt  }
0x64: {  	_ =	shalt  }
0x65: {  	_ =	shalt  }
0x66: {  	_ =	shalt  }
0x67: {  	_ =	shalt  }
0x68: {  	_ =	shalt  }
0x69: {  	_ =	shalt  }
0x6a: {  	_ =	shalt  }
0x6b: {  	_ =	shalt  }
0x6c: {  	_ =	shalt  }
0x6d: {  	_ =	shalt  }
0x6e: {  	_ =	shalt  }
0x6f: {  	_ =	shalt  }
0x70: {  	_ =	shalt  }
0x71: {  	_ =	shalt  }
0x72: {  	_ =	shalt  }
0x73: {  	_ =	shalt  }
0x74: {  	_ =	shalt  }
0x75: {  	_ =	shalt  }
0x76: {  	_ =	shalt  }
0x77: {  	_ =	shalt  }
0x78: {  	_ =	shalt  }
0x79: {  	_ =	shalt  }
0x7a: {  	_ =	shalt  }
0x7b: {  	_ =	shalt  }
0x7c: {  	_ =	shalt  }
0x7d: {  	_ =	shalt  }
0x7e: {  	_ =	shalt  }
0x7f: {  	_ =	shalt  }
0x80: {  	_ =	shalt  }
0x81: {  	_ =	shalt  }
0x82: {  	_ =	shalt  }
0x83: {  	_ =	shalt  }
0x84: {  	_ =	shalt  }
0x85: {  	_ =	shalt  }
0x86: {  	_ =	shalt  }
0x87: {  	_ =	shalt  }
.Lfunc_end0:
.L_simem_size_0:
called_computation_lowered:
.L_overlay_start_0:
0x88: {  	s2 =	sld [smem:$0x3FD9]  }
0x89: {  	s3 =	sld [smem:$0x3FFE];
	_ =	sdelay $0x1  }
0x8a: {  	s1 =	srdreg.scid  }
0x8b: {  	s0 =	sand.u32 $0x1, s1  }
0x8c: {  	s17 =	sshll.u32 s0, $0xA;
	s2 =	sadd.s32 s3, s2  }
0x8d: {  	s2 =	sadd.s32 s2, s17  }
0x8e: {  	[smem:$0x3FB9] =	sst s2  }
0x8f: {  	_ = 	snop  }
0x90: {  	s2 =	sld [smem:$0x3FC9]  }
0x91: {  	s18 =	sld [smem:$0x3FC7];
	(tm) =	ssettm $0x1  }
0x92: {  	s4 =	sld [smem:$0x3FFB];
	_ =	sdelay $0x3  }
0x93: {  	_ =	strace s4  }
0x94: {  	s4 =	sld [smem:$0x3FFC];
	_ =	sdelay $0x3  }
0x95: {  	_ =	strace s4  }
0x96: {  	s4 =	sld [smem:$0x3FFD];
	_ =	sdelay $0x3  }
0x97: {  	_ =	strace s4  }
0x98: {  	_ =	strace $0x8FFFFFFF  }
0x99: {  	s19 =	sld [smem:$0x3FDB];
	_ =	sdelay $0x1  }
0x9a: {  	s5 =	simm.s32 $_scs_section_size  }
0x9b: {  	s6 =	simm.s32 $_size__tile_overlayer_lowered;
	s7 =	simm.s32 $_tile_overlayer_lowered  }
0x9c: {  	s22 =	simm.s32 $0x1BFF;
	s21 =	sshll.u32 s7, $0x1;
	s4 =	sadd.s32 s5, s19  }
0x9d: {  	s8 =	simm.s32 $0x0;
	s20 =	sshll.u32 s6, $0x1;
	s6 =	sadd.s32 s21, s4  }
0x9e: {  	[timem:s8], [sflag:s22] =	dma.local [hbm:s6], s20  }
0x9f: {  	_ =	swait.ge [sflag:s22], s20  }
0xa0: {  	s5 =	ssub.s32 $0x0, s20;
	[sflag:s22] =	ssyncset.done $0x0  }
0xa1: {  	[sflag:s22] =	ssyncadd.s32 s5;
	_ =	sdelay $0x1  }
0xa2: {  	s23 =	simm.s32 $0x1B8B  }
0xa3: {  	_ =	swait.ge [sflag:s23], $0x1  }
0xa4: {  	[sflag:s23] =	ssyncset.done $0x0  }
0xa5: {  	s25 =	simm.s32 $0x1B8E;
	s24 =	sld [smem:$0x3FFE];
	[sflag:s23] =	ssyncadd.s32 $0xFFFFFFFF  }
0xa6: {  	s26 =	simm.s32 $execute0_lowered;
	[smem:$0x3FD2] =	sst s25  }
0xa7: {  	s6 =	sshll.u32 s26, $0x1;
	_ =	strace $0x80000046;
	[dreg:$0x1] =	wrdreg $0xFFFFFFFF  }
0xa8: {  	s28 =	simm.s32 $_size_execute0_lowered;
	s4 =	sadd.s32 s4, s6;
	[dreg:$0x0] =	wrdreg $0x0  }
0xa9: {  	s6 =	sshll.u32 s28, $0x1;
	[dreg:$0x2] =	wrdreg s4  }
0xaa: {  	[dreg:$0x3] =	wrdreg s6  }
0xab: {  	[dreg:$0x4] =	wrdreg $0xC0  }
0xac: {  	_ =	task [dreg:s8], $0x5FFFF  }
0xad: {  	[dreg:$0x1] =	wrdreg $0xFFFFFFFF  }
0xae: {  	[dreg:$0x0] =	wrdreg $0x60  }
0xaf: {  	[dreg:$0x2] =	wrdreg s2  }
0xb0: {  	[dreg:$0x3] =	wrdreg s18  }
0xb1: {  	[dreg:$0x4] =	wrdreg s24  }
0xb2: {  	[dreg:$0x5] =	wrdreg $0xA8000  }
0xb3: {  	[dreg:$0x6] =	wrdreg $0x9  }
0xb4: {  	_ =	task.clear_ibuf [dreg:s8], $0x7FFFF;
	_ =	strace $0x90000046  }
0xb5: {  	s29 =	simm.s32 $0x9;
	_ =	strace $0x80000048  }
0xb6: {  	_ =	swait.ge [sflag:s29], $0x1  }
0xb7: {  	[sflag:s29] =	ssyncadd.s32 $0xFFFFFFFF  }
0xb8: {  	_ =	strace $0x90000048  }
0xb9: {  	_ =	sfence  }
0xba: {  	s30 =	sld [smem:$0x0];
	_ =	sdelay $0x2  }
0xbb: {  	s31 =	sshll.u32 s1, $0xD;
	s1 =	sshrl.u32 s1, $0x2  }
0xbc: {  	s3 =	sand.u32 $0x4000, s31;
	s1 =	sadd.s32 s1, s30  }
0xbd: {  	s0 =	sor.u32 s3, s0;
	s1 =	sshll.u32 s1, $0x11  }
0xbe: {  	s0 =	sor.u32 s1, s0  }
0xbf: {  	s0 =	sadd.s32 $0x8F2B, s0  }
0xc0: {  	[sflag:s0] =	ssyncadd.remote.s32 $0x1  }
0xc1: {  	_ =	sfence.sel $0xFFFF  }
0xc2: {  	[dreg:$0x0] =	wrdreg $0xFFFFFFFF;
	(pc) =	sbr.abs _section_cstart, $3  }
0xc3: {  	[dreg:$0x1] =	wrdreg $0xFFFFFFFF  }
0xc4: {  	_ =	task.clear_ibuf [dreg:s8], $0x2FFFF;
	_ =	strace $0x9FFFFFFF  }
0xc5: {  	(tm) =	ssettm $0x7FFFFFFF  }
tec
execute0_lowered:
.L_overlay_start_1:
0x0: {  	(tag) =	ssettag $0x1  }
0x1: {  	s19 =	rddreg [dreg:$0x0]  }
0x2: {  	s20 =	rddreg [dreg:$0x1]  }
0x3: {  	s3 =	rddreg [dreg:$0x2]  }
0x4: {  	s1 =	rddreg [dreg:$0x3];
	s0 =	srdreg.scid  }
0x5: {  	s2 =	simm.s32 $0x0;
	s28 =	simm.s32 $0x1;
	s29 =	simm.s32 $0x3  }
0x6: {  	s30 =	simm.s32 $0x28;
	s31 =	simm.s32 $0x2;
	s4 =	sand.u32 $0x1, s0  }
0x7: {  	s0 =	stileid.u32;
	[smem:$0x7FF] =	sst s2;
	s5 =	sshll.u32 s4, $0x4  }
0x8: {  	_ =	strace $0x80000047;
	s11 =	ssub.s32 $0x2, s4;
	s4 =	sshll.u32 s4, $0xA  }
0x9: {  	s26 =	sshll.u32 s0, $0xA;
	p2 =	sgt.u32 s0, $0x7;
	s22 =	sor.u32 s0, s5  }
0xa: {  	p1 =	sne.s32 s0, $0x0;
	s6 =	sshrl.u32 s11, $0x1;
	s15 =	smul.u32 $0x140, s22  }
0xb: {  	s21 =	sadd.s32 s4, s3;
	s7 =	smul.u32 $0x1400, s22;
	s23 =	ssub.s32 s11, s6  }
0xc: {  	p0 =	seq.s32 s22, $0x1F;
	s22 =	simm.s32 $0xA000;
	s12 =	sshrl.u32 s15, $0x3  }
0xd: {  	s4 =	sadd.s32 s19, s7;
	s13 =	sor.u32 $0x28, s15;
	s8 =	sadd.s32 $0x50, s15  }
0xe: {  	s9 =	sadd.s32 $0x78, s15;
	s18 =	sadd.s32 $0xA0, s15;
	s3 =	sadd.s32 s20, s12  }
0xf: {  	s14 =	sshrl.u32 s13, $0x3;
	s16 =	sshll.u32 s13, $0x4;
	s17 =	sshrl.u32 s8, $0x3  }
0x10: {  	s8 =	sshll.u32 s8, $0x4;
	s10 =	sshrl.u32 s9, $0x3;
	s11 =	sshll.u32 s9, $0x4  }
0x11: {  	s12 =	sshrl.u32 s18, $0x3;
	s13 =	sshll.u32 s18, $0x4;
	s18 =	sadd.s32 $0x118, s15  }
0x12: {  	s5 =	sadd.s32 s20, s14;
	s6 =	sadd.s32 s19, s16;
	s7 =	sadd.s32 s20, s17  }
0x13: {  	s8 =	sadd.s32 s19, s8;
	s9 =	sadd.s32 s20, s10;
	s10 =	sadd.s32 s19, s11  }
0x14: {  	s14 =	sadd.s32 $0xC8, s15;
	s11 =	sadd.s32 s20, s12;
	s12 =	sadd.s32 s19, s13  }
0x15: {  	s16 =	sadd.s32 $0xF0, s15;
	s25 =	sshrl.u32 s18, $0x3;
	s18 =	sshll.u32 s18, $0x4  }
0x16: {  	s24 =	sshrl.u32 s14, $0x3;
	s14 =	sshll.u32 s14, $0x4;
	s17 =	sshrl.u32 s16, $0x3  }
0x17: {  	s16 =	sshll.u32 s16, $0x4;
	s18 =	sadd.s32 s19, s18;
	s13 =	sadd.s32 s20, s24  }
.Ltmp0:
0x18: {  	s14 =	sadd.s32 s19, s14;
	s15 =	sadd.s32 s20, s17;
	(pc) =	sbr.rel .LBB2_1-.Ltmp0, $4  }
0x19: {  	s16 =	sadd.s32 s19, s16;
	s17 =	sadd.s32 s20, s25;
	s24 =	sadd.s32 $0x4DD, s20  }
0x1a: {  	s25 =	sadd.s32 $0x26E80, s19;
	s19 =	sadd.s32 s26, s1;
	s20 =	sadd.s32 $0x2200, s21  }
0x1b: {  	s21 =	smax.u32 s23, $0x1;
	s23 =	simm.s32 $0x1400;
	s26 =	simm.s32 $0x4  }
0x1c: {  	v0 =	vimm.f32 $0.0e+00;
	s17 =	smov.u32 @p0 s24;
	s18 =	smov.u32 @p0 s25;
	s24 =	simm.s32 $0xA080  }
.LBB2_5:
0x1d: {  	_ =	swait.ge [sflag:s31], $0x1400  }
0x1e: {  	[sflag:s31] =	ssyncset.done $0x0  }
0x1f: {  	[sflag:s31] =	ssyncadd.s32 $0xFFFFEC00  }
0x20: {  	_ =	swait.ge [sflag:s31], $0x1400  }
0x21: {  	[sflag:s31] =	ssyncset.done $0x0  }
0x22: {  	s0 =	sshrl.u32 @!p1 s1, $0x3;
	s21 =	sadd.s32 $0xFFFFFFFF, s21;
	[sflag:s31] =	ssyncadd.s32 $0xFFFFEC00  }
0x23: {  	s25 =	simm.s32 @!p1 $0x1C04;
	p3 =	sne.s32 s21, $0x0;
	[bflag:$0x0] =	sbarrier.arrive $0xFFFF  }
0x24: {  	[hbm:s20], [sflag:s25] =	dma.local @!p1 [spmem:s0], $0x400  }
.Ltmp1:
0x25: {  	_ = 	snop;
	(pc) =	sbr.rel @!p3 .LBB2_6-.Ltmp1, $4  }
0x26: {  	s0 =	simm.s32 @!p1 $0x4  }
0x27: {  	_ =	swait.ge @!p1 [sflag:s0], $0x400  }
0x28: {  	[sflag:s0] =	ssyncset.done @!p1 $0x0  }
0x29: {  	[sflag:s0] =	ssyncadd.s32 @!p1 $0xFFFFFC00  }
.LBB2_1:
0x2a: {  	[tilespmem:s22], [sflag:$0x3] =	stream.linear.gather [hbm4b:s3+s2], $0x28, $0x38;
	[tilespmem:$0xAA00] =	vst v63  }
0x2b: {  	_ = 	snop  }
0x2c: {  	[tilespmem:s2], [sflag:$0x1] =	stream.linear.gather [hbm4b:s4+s2], $0x1400, $0x38;
	[tilespmem:$0xAA00] =	vst v63  }
0x2d: {  	s0 =	simm.s32 @!p0 $0x0;
	s25 =	simm.s32 @!p0 $0xA080  }
0x2e: {  	[tilespmem:s25], [sflag:$0x3] =	stream.linear.gather @!p0 [hbm4b:s5+s0], $0x28, $0x38;
	[tilespmem:$0xAA00] =	vst v63  }
0x2f: {  	s25 =	simm.s32 @!p0 $0x1400  }
0x30: {  	[tilespmem:s25], [sflag:$0x1] =	stream.linear.gather @!p0 [hbm4b:s6+s0], $0x1400, $0x38;
	[tilespmem:$0xAA00] =	vst v63  }
0x31: {  	s25 =	simm.s32 @!p0 $0xA100  }
0x32: {  	[tilespmem:s25], [sflag:$0x3] =	stream.linear.gather @!p0 [hbm4b:s7+s0], $0x28, $0x38;
	[tilespmem:$0xAA00] =	vst v63  }
0x33: {  	s25 =	simm.s32 @!p0 $0x2800  }
0x34: {  	[tilespmem:s25], [sflag:$0x1] =	stream.linear.gather @!p0 [hbm4b:s8+s0], $0x1400, $0x38;
	[tilespmem:$0xAA00] =	vst v63  }
0x35: {  	s25 =	simm.s32 @!p0 $0xA180  }
0x36: {  	[tilespmem:s25], [sflag:$0x3] =	stream.linear.gather @!p0 [hbm4b:s9+s0], $0x28, $0x38;
	[tilespmem:$0xAA00] =	vst v63  }
0x37: {  	s25 =	simm.s32 @!p0 $0x3C00  }
0x38: {  	[tilespmem:s25], [sflag:$0x1] =	stream.linear.gather @!p0 [hbm4b:s10+s0], $0x1400, $0x38;
	[tilespmem:$0xAA00] =	vst v63  }
0x39: {  	s25 =	simm.s32 @!p0 $0xA200  }
0x3a: {  	[tilespmem:s25], [sflag:$0x3] =	stream.linear.gather @!p0 [hbm4b:s11+s0], $0x28, $0x38;
	[tilespmem:$0xAA00] =	vst v63  }
0x3b: {  	s25 =	simm.s32 @!p0 $0x5000  }
0x3c: {  	[tilespmem:s25], [sflag:$0x1] =	stream.linear.gather @!p0 [hbm4b:s12+s0], $0x1400, $0x38;
	[tilespmem:$0xAA00] =	vst v63  }
0x3d: {  	s25 =	simm.s32 @!p0 $0xA280  }
0x3e: {  	[tilespmem:s25], [sflag:$0x3] =	stream.linear.gather @!p0 [hbm4b:s13+s0], $0x28, $0x38;
	[tilespmem:$0xAA00] =	vst v63  }
0x3f: {  	s25 =	simm.s32 @!p0 $0x6400  }
0x40: {  	[tilespmem:s25], [sflag:$0x1] =	stream.linear.gather @!p0 [hbm4b:s14+s0], $0x1400, $0x38;
	[tilespmem:$0xAA00] =	vst v63  }
0x41: {  	s25 =	simm.s32 @!p0 $0xA300  }
0x42: {  	[tilespmem:s25], [sflag:$0x3] =	stream.linear.gather @!p0 [hbm4b:s15+s0], $0x28, $0x38;
	[tilespmem:$0xAA00] =	vst v63  }
0x43: {  	s25 =	simm.s32 @!p0 $0x7800  }
0x44: {  	[tilespmem:s25], [sflag:$0x1] =	stream.linear.gather @!p0 [hbm4b:s16+s0], $0x1400, $0x38;
	[tilespmem:$0xAA00] =	vst v63  }
.Ltmp2:
0x45: {  	s0 =	simm.s32 @!p0 $0xA380;
	(pc) =	sbr.rel @p2 .LBB2_3-.Ltmp2, $4  }
0x46: {  	s25 =	simm.s32 @!p0 $0x8C00;
	s0 =	simm.s32 @p0 $0xA080  }
0x47: {  	[tilespmem:s0], [sflag:$0x3] =	stream.linear.gather [hbm4b:s17+s2], $0x28, $0x38;
	[tilespmem:$0xAA00] =	vst v63  }
0x48: {  	s25 =	simm.s32 @p0 $0x1400  }
0x49: {  	[tilespmem:s25], [sflag:$0x1] =	stream.linear.gather [hbm4b:s18+s2], $0x1400, $0x38;
	[tilespmem:$0xAA00] =	vst v63  }
0x4a: {  	[tilespmem:$0xA400] =	vst v0  }
0x4b: {  	[tilespmem:$0xA410] =	vst v0  }
0x4c: {  	[tilespmem:$0xA420] =	vst v0  }
0x4d: {  	[tilespmem:$0xA430] =	vst v0  }
0x4e: {  	[tilespmem:$0xA440] =	vst v0  }
0x4f: {  	[tilespmem:$0xA450] =	vst v0  }
0x50: {  	[tilespmem:$0xA460] =	vst v0  }
0x51: {  	[tilespmem:$0xA470] =	vst v0  }
0x52: {  	[tilespmem:$0xA480] =	vst v0  }
0x53: {  	[tilespmem:$0xA490] =	vst v0  }
0x54: {  	[tilespmem:$0xA4A0] =	vst v0  }
0x55: {  	[tilespmem:$0xA4B0] =	vst v0  }
0x56: {  	[tilespmem:$0xA4C0] =	vst v0  }
0x57: {  	[tilespmem:$0xA4D0] =	vst v0  }
0x58: {  	[tilespmem:$0xA4E0] =	vst v0  }
0x59: {  	[tilespmem:$0xA4F0] =	vst v0  }
0x5a: {  	[tilespmem:$0xA500] =	vst v0  }
0x5b: {  	[tilespmem:$0xA510] =	vst v0  }
0x5c: {  	[tilespmem:$0xA520] =	vst v0  }
0x5d: {  	[tilespmem:$0xA530] =	vst v0  }
0x5e: {  	[tilespmem:$0xA540] =	vst v0  }
0x5f: {  	[tilespmem:$0xA550] =	vst v0  }
0x60: {  	[tilespmem:$0xA560] =	vst v0  }
0x61: {  	[tilespmem:$0xA570] =	vst v0  }
0x62: {  	[tilespmem:$0xA580] =	vst v0  }
0x63: {  	[tilespmem:$0xA590] =	vst v0  }
0x64: {  	[tilespmem:$0xA5A0] =	vst v0  }
0x65: {  	[tilespmem:$0xA5B0] =	vst v0  }
0x66: {  	[tilespmem:$0xA5C0] =	vst v0  }
0x67: {  	[tilespmem:$0xA5D0] =	vst v0  }
0x68: {  	[tilespmem:$0xA5E0] =	vst v0  }
0x69: {  	[tilespmem:$0xA5F0] =	vst v0  }
0x6a: {  	[tilespmem:$0xA600] =	vst v0  }
0x6b: {  	[tilespmem:$0xA610] =	vst v0  }
0x6c: {  	[tilespmem:$0xA620] =	vst v0  }
0x6d: {  	[tilespmem:$0xA630] =	vst v0  }
0x6e: {  	[tilespmem:$0xA640] =	vst v0  }
0x6f: {  	[tilespmem:$0xA650] =	vst v0  }
0x70: {  	[tilespmem:$0xA660] =	vst v0  }
0x71: {  	[tilespmem:$0xA670] =	vst v0  }
0x72: {  	[tilespmem:$0xA680] =	vst v0  }
0x73: {  	[tilespmem:$0xA690] =	vst v0  }
0x74: {  	[tilespmem:$0xA6A0] =	vst v0  }
0x75: {  	[tilespmem:$0xA6B0] =	vst v0  }
0x76: {  	[tilespmem:$0xA6C0] =	vst v0  }
0x77: {  	[tilespmem:$0xA6D0] =	vst v0  }
0x78: {  	[tilespmem:$0xA6E0] =	vst v0  }
0x79: {  	[tilespmem:$0xA6F0] =	vst v0  }
0x7a: {  	[tilespmem:$0xA700] =	vst v0  }
0x7b: {  	[tilespmem:$0xA710] =	vst v0  }
0x7c: {  	[tilespmem:$0xA720] =	vst v0  }
0x7d: {  	[tilespmem:$0xA730] =	vst v0  }
0x7e: {  	[tilespmem:$0xA740] =	vst v0  }
0x7f: {  	[tilespmem:$0xA750] =	vst v0  }
0x80: {  	[tilespmem:$0xA760] =	vst v0  }
0x81: {  	[tilespmem:$0xA770] =	vst v0  }
0x82: {  	[tilespmem:$0xA780] =	vst v0  }
0x83: {  	[tilespmem:$0xA790] =	vst v0  }
0x84: {  	[tilespmem:$0xA7A0] =	vst v0  }
0x85: {  	[tilespmem:$0xA7B0] =	vst v0  }
0x86: {  	[tilespmem:$0xA7C0] =	vst v0  }
0x87: {  	[tilespmem:$0xA7D0] =	vst v0  }
0x88: {  	[tilespmem:$0xA7E0] =	vst v0  }
0x89: {  	[tilespmem:$0xA7F0] =	vst v0;
	s0 =	simm.s32 $0xA400  }
0x8a: {  	[spmem:s19] =	stream.linear.scatter [tilespmem:s0], [sflag:$0x4], $0x400, $0x38;
	[tilespmem:$0xAA00] =	vst v63  }
0x8b: {  	_ =	swait.ge [sflag:s26], $0x400  }
0x8c: {  	[sflag:s26] =	ssyncset.done $0x0  }
0x8d: {  	[sflag:s26] =	ssyncadd.s32 $0xFFFFFC00  }
.LBB2_3:
0x8e: {  	[bflag:$0x0] =	sbarrier.arrive $0xFFFF  }
0x8f: {  	_ =	swait.ge [sflag:s28], $0x1400  }
0x90: {  	[sflag:s28] =	ssyncset.done $0x0  }
0x91: {  	[sflag:s28] =	ssyncadd.s32 $0xFFFFEC00  }
0x92: {  	_ =	swait.ge [sflag:s29], $0x28  }
0x93: {  	[sflag:s29] =	ssyncset.done $0x0  }
0x94: {  	[sflag:s29] =	ssyncadd.s32 $0xFFFFFFD8  }
0x95: {  	[spmem:s1] =	stream.indirect.scatter.add.f32 [tilespmem:s2], [sflag:$0x2], $0x80, s22, s30, $0xb8;
	[tilespmem:$0xAA00] =	vst v63  }
0x96: {  	_ =	swait.ge [sflag:s28], $0x1400  }
0x97: {  	[sflag:s28] =	ssyncset.done $0x0  }
.Ltmp3:
0x98: {  	[sflag:s28] =	ssyncadd.s32 $0xFFFFEC00;
	(pc) =	sbr.rel @p0 .LBB2_5-.Ltmp3, $4  }
0x99: {  	_ =	swait.ge [sflag:s29], $0x28  }
0x9a: {  	[sflag:s29] =	ssyncset.done $0x0  }
0x9b: {  	[sflag:s29] =	ssyncadd.s32 $0xFFFFFFD8  }
0x9c: {  	[spmem:s1] =	stream.indirect.scatter.add.f32 [tilespmem:s23], [sflag:$0x2], $0x80, s24, s30, $0xb8;
	[tilespmem:$0xAA00] =	vst v63  }
0x9d: {  	_ =	swait.ge [sflag:s28], $0x1400  }
0x9e: {  	[sflag:s28] =	ssyncset.done $0x0  }
0x9f: {  	[sflag:s28] =	ssyncadd.s32 $0xFFFFEC00  }
0xa0: {  	_ =	swait.ge [sflag:s29], $0x28  }
0xa1: {  	[sflag:s29] =	ssyncset.done $0x0  }
0xa2: {  	s0 =	simm.s32 $0xA100;
	s25 =	simm.s32 $0x2800;
	[sflag:s29] =	ssyncadd.s32 $0xFFFFFFD8  }
0xa3: {  	[spmem:s1] =	stream.indirect.scatter.add.f32 [tilespmem:s25], [sflag:$0x2], $0x80, s0, s30, $0xb8;
	[tilespmem:$0xAA00] =	vst v63  }
0xa4: {  	_ =	swait.ge [sflag:s28], $0x1400  }
0xa5: {  	[sflag:s28] =	ssyncset.done $0x0  }
0xa6: {  	[sflag:s28] =	ssyncadd.s32 $0xFFFFEC00  }
0xa7: {  	_ =	swait.ge [sflag:s29], $0x28  }
0xa8: {  	[sflag:s29] =	ssyncset.done $0x0  }
0xa9: {  	s0 =	simm.s32 $0xA180;
	s25 =	simm.s32 $0x3C00;
	[sflag:s29] =	ssyncadd.s32 $0xFFFFFFD8  }
0xaa: {  	[spmem:s1] =	stream.indirect.scatter.add.f32 [tilespmem:s25], [sflag:$0x2], $0x80, s0, s30, $0xb8;
	[tilespmem:$0xAA00] =	vst v63  }
0xab: {  	_ =	swait.ge [sflag:s28], $0x1400  }
0xac: {  	[sflag:s28] =	ssyncset.done $0x0  }
0xad: {  	[sflag:s28] =	ssyncadd.s32 $0xFFFFEC00  }
0xae: {  	_ =	swait.ge [sflag:s29], $0x28  }
0xaf: {  	[sflag:s29] =	ssyncset.done $0x0  }
0xb0: {  	s0 =	simm.s32 $0xA200;
	s25 =	simm.s32 $0x5000;
	[sflag:s29] =	ssyncadd.s32 $0xFFFFFFD8  }
0xb1: {  	[spmem:s1] =	stream.indirect.scatter.add.f32 [tilespmem:s25], [sflag:$0x2], $0x80, s0, s30, $0xb8;
	[tilespmem:$0xAA00] =	vst v63  }
0xb2: {  	_ =	swait.ge [sflag:s28], $0x1400  }
0xb3: {  	[sflag:s28] =	ssyncset.done $0x0  }
0xb4: {  	[sflag:s28] =	ssyncadd.s32 $0xFFFFEC00  }
0xb5: {  	_ =	swait.ge [sflag:s29], $0x28  }
0xb6: {  	[sflag:s29] =	ssyncset.done $0x0  }
0xb7: {  	s0 =	simm.s32 $0xA280;
	s25 =	simm.s32 $0x6400;
	[sflag:s29] =	ssyncadd.s32 $0xFFFFFFD8  }
0xb8: {  	[spmem:s1] =	stream.indirect.scatter.add.f32 [tilespmem:s25], [sflag:$0x2], $0x80, s0, s30, $0xb8;
	[tilespmem:$0xAA00] =	vst v63  }
0xb9: {  	_ =	swait.ge [sflag:s28], $0x1400  }
0xba: {  	[sflag:s28] =	ssyncset.done $0x0  }
0xbb: {  	[sflag:s28] =	ssyncadd.s32 $0xFFFFEC00  }
0xbc: {  	_ =	swait.ge [sflag:s29], $0x28  }
0xbd: {  	[sflag:s29] =	ssyncset.done $0x0  }
0xbe: {  	s0 =	simm.s32 $0xA300;
	s25 =	simm.s32 $0x7800;
	[sflag:s29] =	ssyncadd.s32 $0xFFFFFFD8  }
0xbf: {  	[spmem:s1] =	stream.indirect.scatter.add.f32 [tilespmem:s25], [sflag:$0x2], $0x80, s0, s30, $0xb8;
	[tilespmem:$0xAA00] =	vst v63  }
0xc0: {  	_ =	swait.ge [sflag:s28], $0x1400  }
0xc1: {  	[sflag:s28] =	ssyncset.done $0x0  }
0xc2: {  	[sflag:s28] =	ssyncadd.s32 $0xFFFFEC00  }
0xc3: {  	_ =	swait.ge [sflag:s29], $0x28  }
0xc4: {  	[sflag:s29] =	ssyncset.done $0x0  }
0xc5: {  	s0 =	simm.s32 $0xA380;
	s25 =	simm.s32 $0x8C00;
	[sflag:s29] =	ssyncadd.s32 $0xFFFFFFD8  }
0xc6: {  	[spmem:s1] =	stream.indirect.scatter.add.f32 [tilespmem:s25], [sflag:$0x2], $0x80, s0, s30, $0xb8;
	[tilespmem:$0xAA00] =	vst v63  }
0xc7: {  	_ =	swait.ge [sflag:s31], $0x1400  }
0xc8: {  	[sflag:s31] =	ssyncset.done $0x0  }
0xc9: {  	[sflag:s31] =	ssyncadd.s32 $0xFFFFEC00  }
0xca: {  	_ =	swait.ge [sflag:s31], $0x1400  }
0xcb: {  	[sflag:s31] =	ssyncset.done $0x0  }
0xcc: {  	[sflag:s31] =	ssyncadd.s32 $0xFFFFEC00  }
0xcd: {  	_ =	swait.ge [sflag:s31], $0x1400  }
0xce: {  	[sflag:s31] =	ssyncset.done $0x0  }
0xcf: {  	[sflag:s31] =	ssyncadd.s32 $0xFFFFEC00  }
0xd0: {  	_ =	swait.ge [sflag:s31], $0x1400  }
0xd1: {  	[sflag:s31] =	ssyncset.done $0x0  }
0xd2: {  	[sflag:s31] =	ssyncadd.s32 $0xFFFFEC00  }
0xd3: {  	_ =	swait.ge [sflag:s31], $0x1400  }
.Ltmp4:
0xd4: {  	[sflag:s31] =	ssyncset.done $0x0;
	(pc) =	sbr.rel .LBB2_5-.Ltmp4, $4  }
0xd5: {  	[sflag:s31] =	ssyncadd.s32 $0xFFFFEC00  }
0xd6: {  	_ =	swait.ge [sflag:s31], $0x1400  }
0xd7: {  	[sflag:s31] =	ssyncset.done $0x0  }
0xd8: {  	[sflag:s31] =	ssyncadd.s32 $0xFFFFEC00  }
.LBB2_6:
0xd9: {  	_ =	sfence.sel $0x180000  }
0xda: {  	[bflag:$0x0] =	sbarrier.arrive $0xFFFF  }
0xdb: {  	_ =	strace $0x90000047  }
0xdc: {  	[bflag:$0x2] =	sbarrier.arrive $0xFFFF  }
0xdd: {  	s0 =	rddreg [dreg:$0x4]  }
0xde: {  	s0 =	sadd.s32 @!p1 $0x100000, s0  }
0xdf: {  	[sflag:s0] =	ssyncadd.tile.s32 @!p1 $0x1;
	_ =	shalt  }
.Lfunc_end2:
_tile_overlayer_lowered:
.L_overlay_start_2:
0xe0: {  	(tag) =	ssettag $0x2  }
0xe1: {  	s0 =	rddreg [dreg:$0x0];
	s2 =	stileid.u32  }
0xe2: {  	s1 =	rddreg [dreg:$0x1];
	p0 =	sne.s32 s2, $0x0  }
0xe3: {  	s3 =	rddreg [dreg:$0x2];
	[bflag:$0x3] =	sbarrier.arrive $0xFFFF;
	s2 =	simm.s32 @!p0 $0x1C04  }
0xe4: {  	[timem:s3], [sflag:s2] =	dma.local @!p0 [hbm:s0], s1  }
0xe5: {  	s0 =	simm.s32 @!p0 $0x4  }
0xe6: {  	_ =	swait.ge @!p0 [sflag:s0], s1  }
0xe7: {  	s1 =	ssub.s32 @!p0 $0x0, s1;
	[sflag:s0] =	ssyncset.done @!p0 $0x0  }
0xe8: {  	[sflag:s0] =	ssyncadd.s32 @!p0 s1  }
0xe9: {  	[bflag:$0x3] =	sbarrier.arrive $0xFFFF  }
0xea: {  	_ =	shalt  }

</sc_bundles>
